<compile_context>
chip_gen: v7x
topology: tpu7x:2x2x1
jax: 0.10.2.dev20260603
libtpu: 0.0.44.dev20260713+nightly
codegen_flags: <defaults>
</compile_context>

<pallas_src>
import functools

import jax
import jax.numpy as jnp
from jax import lax
from jax.experimental import pallas as pl
from jax.experimental.pallas import tpu as pltpu
from jax.experimental.pallas import tpu_sc as plsc

H, W = 32, 32
N = H * W + 1
NUM_HEADS = 16
NUM_REL = (2 * H - 1) * (2 * W - 1) + 3
TABLE_FLAT = NUM_REL * NUM_HEADS

NC, NS, L = 2, 16, 16
NW = NC * NS
ROWS_PER_TILE = (N - 1) // NW
R = 8
NCH = ROWS_PER_TILE // R
FULL_VPR = (N - 1) // L


def _sc_gather(table_flat, idx):
    mesh = plsc.VectorSubcoreMesh(
        core_axis_name="c", subcore_axis_name="s", num_cores=NC, num_subcores=NS
    )

    @functools.partial(
        pl.kernel,
        out_type=jax.ShapeDtypeStruct((NUM_HEADS, N, N), jnp.float32),
        mesh=mesh,
        compiler_params=pltpu.CompilerParams(needs_layout_passes=False),
        scratch_types=[
            pltpu.VMEM((TABLE_FLAT,), jnp.float32),
            pltpu.VMEM((2, R, N), jnp.int32),
            pltpu.VMEM((2, R, N), jnp.float32),
            pltpu.VMEM((1, N), jnp.int32),
            pltpu.VMEM((2, 1, N), jnp.float32),
            pltpu.SemaphoreType.DMA,
            pltpu.SemaphoreType.DMA,
        ],
    )
    def k(table_hbm, idx_hbm, out_hbm, table_v, idx_v, out_v, idxrow_v,
          outrow_v, sem_i, sem_o):
        wid = lax.axis_index("s") * NC + lax.axis_index("c")
        pltpu.sync_copy(table_hbm, table_v)
        rows_iota = lax.iota(jnp.int32, L)
        col_last = jnp.full((L,), N - 1, jnp.int32)
        lane0 = rows_iota == 0
        chunk_lanes = rows_iota < R

        def idx_start(slot, r0):
            pltpu.async_copy(idx_hbm.at[pl.ds(r0, R), :], idx_v.at[slot], sem_i)

        def idx_wait():
            pltpu.make_async_copy(
                idx_hbm.at[pl.ds(0, R), :], idx_v.at[0], sem_i
            ).wait()

        def out_start(slot, h, r0):
            pltpu.async_copy(
                out_v.at[slot], out_hbm.at[h, pl.ds(r0, R), :], sem_o
            )

        def out_wait():
            pltpu.make_async_copy(
                out_v.at[0], out_hbm.at[0, pl.ds(0, R), :], sem_o
            ).wait()

        def fill(islot, oslot, h):
            hbase = h * NUM_REL

            @plsc.parallel_loop(0, R * FULL_VPR, unroll=8)
            def _(t):
                r = t >> 6
                pos = pl.multiple_of((t & 63) * L, L)
                iv = idx_v[islot, r, pl.ds(pos, L)]
                out_v[oslot, r, pl.ds(pos, L)] = plsc.load_gather(
                    table_v, [iv + hbase]
                )

            iv = plsc.load_gather(
                idx_v.at[islot], [rows_iota, col_last], mask=chunk_lanes
            )
            vals = plsc.load_gather(table_v, [iv + hbase], mask=chunk_lanes)
            plsc.store_scatter(
                out_v.at[oslot], [rows_iota, col_last], vals, mask=chunk_lanes
            )

        def head_loop(h_lo, islot, r0):
            def body(h, _):
                out_wait()
                fill(islot, h & 1, h)
                out_start(h & 1, h, r0)
                return 0

            lax.fori_loop(h_lo, NUM_HEADS, body, 0)

        base = wid * ROWS_PER_TILE
        idx_start(0, base)
        idx_start(1, base + R)
        idx_wait()
        fill(0, 0, 0)
        out_start(0, 0, base)
        fill(0, 1, 1)
        out_start(1, 1, base)
        head_loop(2, 0, base)
        for c in range(1, NCH):
            if c + 1 < NCH:
                idx_start((c + 1) % 2, base + (c + 1) * R)
            idx_wait()
            head_loop(0, c % 2, base + c * R)

        out_wait()
        out_wait()

        @pl.when(wid == NW - 1)
        def _():
            pltpu.sync_copy(idx_hbm.at[pl.ds(N - 1, 1), :], idxrow_v)

            def rowfill(h, oslot):
                hbase = h * NUM_REL

                @plsc.parallel_loop(0, FULL_VPR, unroll=8)
                def _(t):
                    pos = pl.multiple_of(t * L, L)
                    iv = idxrow_v[0, pl.ds(pos, L)]
                    outrow_v[oslot, 0, pl.ds(pos, L)] = plsc.load_gather(
                        table_v, [iv + hbase]
                    )

                zeros = jnp.zeros((L,), jnp.int32)
                iv = plsc.load_gather(idxrow_v, [zeros, col_last], mask=lane0)
                vals = plsc.load_gather(table_v, [iv + hbase], mask=lane0)
                plsc.store_scatter(
                    outrow_v.at[oslot], [zeros, col_last], vals, mask=lane0
                )
                pltpu.async_copy(
                    outrow_v.at[oslot], out_hbm.at[h, pl.ds(N - 1, 1), :],
                    sem_o,
                )

            def row_wait():
                pltpu.make_async_copy(
                    outrow_v.at[0], out_hbm.at[0, pl.ds(0, 1), :], sem_o
                ).wait()

            rowfill(0, 0)
            rowfill(1, 1)

            def body(h, _):
                row_wait()
                rowfill(h, h & 1)
                return 0

            lax.fori_loop(2, NUM_HEADS, body, 0)
            row_wait()
            row_wait()

    return k(table_flat, idx)


def kernel(relative_position_bias_table, relative_position_index):
    table_flat = relative_position_bias_table.T.reshape(-1)
    idx = relative_position_index.astype(jnp.int32)
    out = _sc_gather(table_flat, idx)
    return out.reshape(1, NUM_HEADS, N, N)

# --- scband reference (transcript-rebuilt; emitter-appended) ---
"""Pipeline reference for scband-relative-position-bias-9070970929187 (READ-ONLY COPY).

The authoritative reference and input builder live on the scoring server;
editing this copy changes nothing except your own understanding.
"""

import jax, jax.numpy as jnp
import numpy as np

H, W = 32, 32
NUM_HEADS = 16
NUM_REL = (2 * H - 1) * (2 * W - 1) + 3


def _build_relative_position_index():
    coords_h_grid, coords_w_grid = np.meshgrid(np.arange(H), np.arange(W), indexing='ij')
    coords_h = coords_h_grid.flatten()
    coords_w = coords_w_grid.flatten()
    rel_h = coords_h[:, None] - coords_h[None, :]
    rel_w = coords_w[:, None] - coords_w[None, :]
    rel_h = rel_h + (H - 1)
    rel_w = rel_w + (W - 1)
    rel_h = rel_h * (2 * W - 1)
    idx = np.zeros((H * W + 1, H * W + 1), dtype=np.int64)
    idx[1:, 1:] = rel_h + rel_w
    idx[0, :] = NUM_REL - 3
    idx[:, 0] = NUM_REL - 2
    idx[0, 0] = NUM_REL - 1
    return idx


def setup_inputs(seed: int = 0) -> dict:
    key = jax.random.key(seed)
    table = jax.random.normal(key, (NUM_REL, NUM_HEADS), dtype=jnp.float32) * 0.02
    rel_idx = jnp.asarray(_build_relative_position_index())
    return {"relative_position_bias_table": table, "relative_position_index": rel_idx}


def reference(relative_position_bias_table, relative_position_index):
    N = H * W + 1
    flat_idx = relative_position_index.reshape(-1)
    bias = jnp.take(relative_position_bias_table, flat_idx, axis=0)
    bias = bias.reshape(N, N, -1)
    bias = jnp.transpose(bias, (2, 0, 1))
    return bias[None, ...]

if __name__ == "__main__":
    import jax
    _d = setup_inputs()
    print(jax.jit(kernel)(*tuple(_d.values())))

</pallas_src>

<mosaic_0001>
#map = affine_map<(d0, d1) -> (0)>
#map1 = affine_map<(d0, d1) -> (0, 0)>
#map2 = affine_map<(d0, d1) -> (0, 0, 0)>
module attributes {stable_mosaic.version = 14 : i64} {
  func.func @k(%arg0: i32, %arg1: i32, %arg2: memref<63552xf32, #tpu.memory_space<hbm>>, %arg3: memref<1025x1025xi32, #tpu.memory_space<hbm>>, %arg4: memref<16x1025x1025xf32, #tpu.memory_space<hbm>>, %arg5: memref<63552xf32, #tpu.memory_space<vmem>>, %arg6: memref<2x8x1025xi32, #tpu.memory_space<vmem>>, %arg7: memref<2x8x1025xf32, #tpu.memory_space<vmem>>, %arg8: memref<1x1025xi32, #tpu.memory_space<vmem>>, %arg9: memref<2x1x1025xf32, #tpu.memory_space<vmem>>, %arg10: memref<!tpu.dma_semaphore, #tpu.memory_space<semaphore_mem>>, %arg11: memref<!tpu.dma_semaphore, #tpu.memory_space<semaphore_mem>>) attributes {dimension_semantics = [#tpu.dimension_semantics<core_parallel>, #tpu.dimension_semantics<subcore_parallel>], iteration_bounds = array<i64: 2, 16>, scalar_prefetch = 0 : i64, scratch_operands = 7 : i64, tpu.core_type = #tpu.core_type<sc_vector_subcore>, window_params = [{transform_indices = #map}, {transform_indices = #map1}, {transform_indices = #map2}]} {
    %mul3A = arith.constant 2 : i32
    %mul3A_0 = arith.muli %arg1, %mul3A : i32
    %add3A = arith.addi %mul3A_0, %arg0 : i32
    "tpu.region"() ({
      %run_scoped3A = tpu.sem_alloc : memref<!tpu.dma_semaphore, #tpu.memory_space<semaphore_mem>>
      tpu.enqueue_dma source(%arg2 : memref<63552xf32, #tpu.memory_space<hbm>>) target(%arg5 : memref<63552xf32, #tpu.memory_space<vmem>>) target_semaphore(%run_scoped3A : memref<!tpu.dma_semaphore, #tpu.memory_space<semaphore_mem>>)
      tpu.wait_dma2 semaphore(%run_scoped3A : memref<!tpu.dma_semaphore, #tpu.memory_space<semaphore_mem>>) src(%arg2 : memref<63552xf32, #tpu.memory_space<hbm>>) dst(%arg5 : memref<63552xf32, #tpu.memory_space<vmem>>)
      tpu.yield
    }) : () -> ()
    %iota3A = tpu.iota {dimensions = array<i32: 0>} : vector<16xi32>
    %broadcast_in_dim3A = arith.constant 1024 : i32
    %broadcast_in_dim3A_1 = vector.broadcast %broadcast_in_dim3A : i32 to vector<16xi32>
    %eq3A = arith.constant 0 : i32
    %eq3A_2 = vector.broadcast %eq3A : i32 to vector<16xi32>
    %eq3A_3 = arith.cmpi eq, %iota3A, %eq3A_2 : vector<16xi32>
    %lt3A = arith.constant 8 : i32
    %lt3A_4 = vector.broadcast %lt3A : i32 to vector<16xi32>
    %lt3A_5 = arith.cmpi slt, %iota3A, %lt3A_4 : vector<16xi32>
    %mul3A_6 = arith.constant 32 : i32
    %mul3A_7 = arith.muli %add3A, %mul3A_6 : i32
    %dma_start3A = arith.constant 0 : i32
    %dma_start3A_8 = arith.constant 0 : i32
    %dma_start3A_9 = arith.constant 0 : i32
    %dma_start3A_10 = tpu.memref_slice %arg6[%dma_start3A, %dma_start3A_8, %dma_start3A_9] : memref<2x8x1025xi32, #tpu.memory_space<vmem>> -> memref<1x8x1025xi32, #tpu.memory_space<vmem>>
    %dma_start3A_11 = tpu.memref_squeeze %dma_start3A_10 : memref<1x8x1025xi32, #tpu.memory_space<vmem>> -> memref<8x1025xi32, #tpu.memory_space<vmem>>
    %dma_start3A_12 = arith.constant 0 : i32
    %dma_start3A_13 = tpu.memref_slice %arg3[%mul3A_7, %dma_start3A_12] : memref<1025x1025xi32, #tpu.memory_space<hbm>> -> memref<8x1025xi32, #tpu.memory_space<hbm>>
    %dma_start3A_14 = arith.constant 0 : i32
    %dma_start3A_15 = arith.constant 0 : i32
    %dma_start3A_16 = tpu.memref_slice %arg6[%dma_start3A, %dma_start3A_14, %dma_start3A_15] : memref<2x8x1025xi32, #tpu.memory_space<vmem>> -> memref<1x8x1025xi32, #tpu.memory_space<vmem>>
    %dma_start3A_17 = tpu.memref_squeeze %dma_start3A_16 : memref<1x8x1025xi32, #tpu.memory_space<vmem>> -> memref<8x1025xi32, #tpu.memory_space<vmem>>
    %dma_start3A_18 = arith.constant 0 : i32
    %dma_start3A_19 = tpu.memref_slice %arg3[%mul3A_7, %dma_start3A_18] : memref<1025x1025xi32, #tpu.memory_space<hbm>> -> memref<8x1025xi32, #tpu.memory_space<hbm>>
    tpu.enqueue_dma source(%dma_start3A_19 : memref<8x1025xi32, #tpu.memory_space<hbm>>) target(%dma_start3A_17 : memref<8x1025xi32, #tpu.memory_space<vmem>>) target_semaphore(%arg10 : memref<!tpu.dma_semaphore, #tpu.memory_space<semaphore_mem>>)
    %add3A_20 = arith.constant 8 : i32
    %add3A_21 = arith.addi %mul3A_7, %add3A_20 : i32
    %dma_start3A_22 = arith.constant 1 : i32
    %dma_start3A_23 = arith.constant 0 : i32
    %dma_start3A_24 = arith.constant 0 : i32
    %dma_start3A_25 = tpu.memref_slice %arg6[%dma_start3A_22, %dma_start3A_23, %dma_start3A_24] : memref<2x8x1025xi32, #tpu.memory_space<vmem>> -> memref<1x8x1025xi32, #tpu.memory_space<vmem>>
    %dma_start3A_26 = tpu.memref_squeeze %dma_start3A_25 : memref<1x8x1025xi32, #tpu.memory_space<vmem>> -> memref<8x1025xi32, #tpu.memory_space<vmem>>
    %dma_start3A_27 = arith.constant 0 : i32
    %dma_start3A_28 = tpu.memref_slice %arg3[%add3A_21, %dma_start3A_27] : memref<1025x1025xi32, #tpu.memory_space<hbm>> -> memref<8x1025xi32, #tpu.memory_space<hbm>>
    %dma_start3A_29 = arith.constant 0 : i32
    %dma_start3A_30 = arith.constant 0 : i32
    %dma_start3A_31 = tpu.memref_slice %arg6[%dma_start3A_22, %dma_start3A_29, %dma_start3A_30] : memref<2x8x1025xi32, #tpu.memory_space<vmem>> -> memref<1x8x1025xi32, #tpu.memory_space<vmem>>
    %dma_start3A_32 = tpu.memref_squeeze %dma_start3A_31 : memref<1x8x1025xi32, #tpu.memory_space<vmem>> -> memref<8x1025xi32, #tpu.memory_space<vmem>>
    %dma_start3A_33 = arith.constant 0 : i32
    %dma_start3A_34 = tpu.memref_slice %arg3[%add3A_21, %dma_start3A_33] : memref<1025x1025xi32, #tpu.memory_space<hbm>> -> memref<8x1025xi32, #tpu.memory_space<hbm>>
    tpu.enqueue_dma source(%dma_start3A_34 : memref<8x1025xi32, #tpu.memory_space<hbm>>) target(%dma_start3A_32 : memref<8x1025xi32, #tpu.memory_space<vmem>>) target_semaphore(%arg10 : memref<!tpu.dma_semaphore, #tpu.memory_space<semaphore_mem>>)
    %dma_wait3A = arith.constant 0 : i32
    %dma_wait3A_35 = arith.constant 0 : i32
    %dma_wait3A_36 = arith.constant 0 : i32
    %dma_wait3A_37 = tpu.memref_slice %arg6[%dma_wait3A, %dma_wait3A_35, %dma_wait3A_36] : memref<2x8x1025xi32, #tpu.memory_space<vmem>> -> memref<1x8x1025xi32, #tpu.memory_space<vmem>>
    %dma_wait3A_38 = tpu.memref_squeeze %dma_wait3A_37 : memref<1x8x1025xi32, #tpu.memory_space<vmem>> -> memref<8x1025xi32, #tpu.memory_space<vmem>>
    %dma_wait3A_39 = arith.constant 0 : i32
    %dma_wait3A_40 = arith.constant 0 : i32
    %dma_wait3A_41 = tpu.memref_slice %arg3[%dma_wait3A_39, %dma_wait3A_40] : memref<1025x1025xi32, #tpu.memory_space<hbm>> -> memref<8x1025xi32, #tpu.memory_space<hbm>>
    %dma_wait3A_42 = arith.constant 0 : i32
    %dma_wait3A_43 = arith.constant 0 : i32
    %dma_wait3A_44 = tpu.memref_slice %arg6[%dma_wait3A, %dma_wait3A_42, %dma_wait3A_43] : memref<2x8x1025xi32, #tpu.memory_space<vmem>> -> memref<1x8x1025xi32, #tpu.memory_space<vmem>>
    %dma_wait3A_45 = tpu.memref_squeeze %dma_wait3A_44 : memref<1x8x1025xi32, #tpu.memory_space<vmem>> -> memref<8x1025xi32, #tpu.memory_space<vmem>>
    %dma_wait3A_46 = arith.constant 0 : i32
    %dma_wait3A_47 = arith.constant 0 : i32
    %dma_wait3A_48 = tpu.memref_slice %arg3[%dma_wait3A_46, %dma_wait3A_47] : memref<1025x1025xi32, #tpu.memory_space<hbm>> -> memref<8x1025xi32, #tpu.memory_space<hbm>>
    tpu.wait_dma2 semaphore(%arg10 : memref<!tpu.dma_semaphore, #tpu.memory_space<semaphore_mem>>) src(%dma_wait3A_48 : memref<8x1025xi32, #tpu.memory_space<hbm>>) dst(%dma_wait3A_45 : memref<8x1025xi32, #tpu.memory_space<vmem>>)
    %parallel_loop3A = arith.constant 0 : i32
    %parallel_loop3A_49 = arith.constant 512 : i32
    %parallel_loop3A_50 = arith.constant 1 : i32
    scf.for %parallel_loop3A_261 = %parallel_loop3A to %parallel_loop3A_49 step %parallel_loop3A_50  : i32 {
      %parallel_loop3A_262 = arith.constant 6 : i32
      %parallel_loop3A_263 = arith.shrsi %parallel_loop3A_261, %parallel_loop3A_262 : i32
      %parallel_loop3A_264 = arith.constant 63 : i32
      %parallel_loop3A_265 = arith.andi %parallel_loop3A_261, %parallel_loop3A_264 : i32
      %parallel_loop3A_266 = arith.constant 16 : i32
      %parallel_loop3A_267 = arith.muli %parallel_loop3A_265, %parallel_loop3A_266 : i32
      %parallel_loop3A_268 = tpu.assume_multiple %parallel_loop3A_267, 16 : i32
      %parallel_loop3A_269 = arith.constant 0 : i32
      %parallel_loop3A_270 = arith.index_cast %parallel_loop3A_269 : i32 to index
      %parallel_loop3A_271 = arith.index_cast %parallel_loop3A_263 : i32 to index
      %parallel_loop3A_272 = arith.index_cast %parallel_loop3A_268 : i32 to index
      %parallel_loop3A_273 = tpu.vector_load %arg6[%parallel_loop3A_270, %parallel_loop3A_271, %parallel_loop3A_272] {strides = array<i32>} : memref<2x8x1025xi32, #tpu.memory_space<vmem>>, vector<16xi32>,
      %parallel_loop3A_274 = arith.constant 0 : i32
      %parallel_loop3A_275 = vector.broadcast %parallel_loop3A_274 : i32 to vector<16xi32>
      %parallel_loop3A_276 = arith.addi %parallel_loop3A_273, %parallel_loop3A_275 : vector<16xi32>
      %parallel_loop3A_277 = tpu.vector_load_idx %arg5[%parallel_loop3A_276] : memref<63552xf32, #tpu.memory_space<vmem>>[vector<16xi32>], vector<16xf32>,
      %parallel_loop3A_278 = arith.constant 0 : i32
      %parallel_loop3A_279 = arith.index_cast %parallel_loop3A_278 : i32 to index
      %parallel_loop3A_280 = arith.index_cast %parallel_loop3A_263 : i32 to index
      %parallel_loop3A_281 = arith.index_cast %parallel_loop3A_268 : i32 to index
      %parallel_loop3A_282 = tpu.vector_load %arg7[%parallel_loop3A_279, %parallel_loop3A_280, %parallel_loop3A_281] {strides = array<i32>} : memref<2x8x1025xf32, #tpu.memory_space<vmem>>, vector<16xf32>,
      tpu.vector_store %arg7[%parallel_loop3A_279, %parallel_loop3A_280, %parallel_loop3A_281], %parallel_loop3A_277 {strides = array<i32>} : memref<2x8x1025xf32, #tpu.memory_space<vmem>>, vector<16xf32>,
    } {sc.loop_unroll_factor = 8 : i64, sc.parallel_access}
    %gather3A = arith.constant 0 : i32
    %gather3A_51 = arith.constant 0 : i32
    %gather3A_52 = arith.constant 0 : i32
    %gather3A_53 = tpu.memref_slice %arg6[%gather3A, %gather3A_51, %gather3A_52] : memref<2x8x1025xi32, #tpu.memory_space<vmem>> -> memref<1x8x1025xi32, #tpu.memory_space<vmem>>
    %gather3A_54 = tpu.memref_squeeze %gather3A_53 : memref<1x8x1025xi32, #tpu.memory_space<vmem>> -> memref<8x1025xi32, #tpu.memory_space<vmem>>
    %gather3A_55 = tpu.vector_load_idx %gather3A_54[%iota3A, %broadcast_in_dim3A_1] masked %lt3A_5 : memref<8x1025xi32, #tpu.memory_space<vmem>>[vector<16xi32>, vector<16xi32>], vector<16xi32>, vector<16xi1>
    %add3A_56 = arith.constant 0 : i32
    %add3A_57 = vector.broadcast %add3A_56 : i32 to vector<16xi32>
    %add3A_58 = arith.addi %gather3A_55, %add3A_57 : vector<16xi32>
    %gather3A_59 = tpu.vector_load_idx %arg5[%add3A_58] masked %lt3A_5 : memref<63552xf32, #tpu.memory_space<vmem>>[vector<16xi32>], vector<16xf32>, vector<16xi1>
    %scatter3A = arith.constant 0 : i32
    %scatter3A_60 = arith.constant 0 : i32
    %scatter3A_61 = arith.constant 0 : i32
    %scatter3A_62 = tpu.memref_slice %arg7[%scatter3A, %scatter3A_60, %scatter3A_61] : memref<2x8x1025xf32, #tpu.memory_space<vmem>> -> memref<1x8x1025xf32, #tpu.memory_space<vmem>>
    %scatter3A_63 = tpu.memref_squeeze %scatter3A_62 : memref<1x8x1025xf32, #tpu.memory_space<vmem>> -> memref<8x1025xf32, #tpu.memory_space<vmem>>
    tpu.vector_store_idx %scatter3A_63[%iota3A, %broadcast_in_dim3A_1], %gather3A_59 masked %lt3A_5 : memref<8x1025xf32, #tpu.memory_space<vmem>>[vector<16xi32>, vector<16xi32>], vector<16xf32>, vector<16xi1>
    %dma_start3A_64 = arith.constant 0 : i32
    %dma_start3A_65 = arith.constant 0 : i32
    %dma_start3A_66 = arith.constant 0 : i32
    %dma_start3A_67 = arith.constant 0 : i32
    %dma_start3A_68 = tpu.memref_slice %arg7[%dma_start3A_64, %dma_start3A_66, %dma_start3A_67] : memref<2x8x1025xf32, #tpu.memory_space<vmem>> -> memref<1x8x1025xf32, #tpu.memory_space<vmem>>
    %dma_start3A_69 = tpu.memref_squeeze %dma_start3A_68 : memref<1x8x1025xf32, #tpu.memory_space<vmem>> -> memref<8x1025xf32, #tpu.memory_space<vmem>>
    %dma_start3A_70 = arith.constant 0 : i32
    %dma_start3A_71 = tpu.memref_slice %arg4[%dma_start3A_65, %mul3A_7, %dma_start3A_70] : memref<16x1025x1025xf32, #tpu.memory_space<hbm>> -> memref<1x8x1025xf32, #tpu.memory_space<hbm>>
    %dma_start3A_72 = tpu.memref_squeeze %dma_start3A_71 : memref<1x8x1025xf32, #tpu.memory_space<hbm>> -> memref<8x1025xf32, #tpu.memory_space<hbm>>
    %dma_start3A_73 = arith.constant 0 : i32
    %dma_start3A_74 = tpu.memref_slice %arg4[%dma_start3A_65, %mul3A_7, %dma_start3A_73] : memref<16x1025x1025xf32, #tpu.memory_space<hbm>> -> memref<1x8x1025xf32, #tpu.memory_space<hbm>>
    %dma_start3A_75 = tpu.memref_squeeze %dma_start3A_74 : memref<1x8x1025xf32, #tpu.memory_space<hbm>> -> memref<8x1025xf32, #tpu.memory_space<hbm>>
    %dma_start3A_76 = arith.constant 0 : i32
    %dma_start3A_77 = arith.constant 0 : i32
    %dma_start3A_78 = tpu.memref_slice %arg7[%dma_start3A_64, %dma_start3A_76, %dma_start3A_77] : memref<2x8x1025xf32, #tpu.memory_space<vmem>> -> memref<1x8x1025xf32, #tpu.memory_space<vmem>>
    %dma_start3A_79 = tpu.memref_squeeze %dma_start3A_78 : memref<1x8x1025xf32, #tpu.memory_space<vmem>> -> memref<8x1025xf32, #tpu.memory_space<vmem>>
    tpu.enqueue_dma source(%dma_start3A_79 : memref<8x1025xf32, #tpu.memory_space<vmem>>) target(%dma_start3A_75 : memref<8x1025xf32, #tpu.memory_space<hbm>>) target_semaphore(%arg11 : memref<!tpu.dma_semaphore, #tpu.memory_space<semaphore_mem>>)
    %parallel_loop3A_80 = arith.constant 0 : i32
    %parallel_loop3A_81 = arith.constant 512 : i32
    %parallel_loop3A_82 = arith.constant 1 : i32
    scf.for %parallel_loop3A_261 = %parallel_loop3A_80 to %parallel_loop3A_81 step %parallel_loop3A_82  : i32 {
      %parallel_loop3A_262 = arith.constant 6 : i32
      %parallel_loop3A_263 = arith.shrsi %parallel_loop3A_261, %parallel_loop3A_262 : i32
      %parallel_loop3A_264 = arith.constant 63 : i32
      %parallel_loop3A_265 = arith.andi %parallel_loop3A_261, %parallel_loop3A_264 : i32
      %parallel_loop3A_266 = arith.constant 16 : i32
      %parallel_loop3A_267 = arith.muli %parallel_loop3A_265, %parallel_loop3A_266 : i32
      %parallel_loop3A_268 = tpu.assume_multiple %parallel_loop3A_267, 16 : i32
      %parallel_loop3A_269 = arith.constant 0 : i32
      %parallel_loop3A_270 = arith.index_cast %parallel_loop3A_269 : i32 to index
      %parallel_loop3A_271 = arith.index_cast %parallel_loop3A_263 : i32 to index
      %parallel_loop3A_272 = arith.index_cast %parallel_loop3A_268 : i32 to index
      %parallel_loop3A_273 = tpu.vector_load %arg6[%parallel_loop3A_270, %parallel_loop3A_271, %parallel_loop3A_272] {strides = array<i32>} : memref<2x8x1025xi32, #tpu.memory_space<vmem>>, vector<16xi32>,
      %parallel_loop3A_274 = arith.constant 3972 : i32
      %parallel_loop3A_275 = vector.broadcast %parallel_loop3A_274 : i32 to vector<16xi32>
      %parallel_loop3A_276 = arith.addi %parallel_loop3A_273, %parallel_loop3A_275 : vector<16xi32>
      %parallel_loop3A_277 = tpu.vector_load_idx %arg5[%parallel_loop3A_276] : memref<63552xf32, #tpu.memory_space<vmem>>[vector<16xi32>], vector<16xf32>,
      %parallel_loop3A_278 = arith.constant 1 : i32
      %parallel_loop3A_279 = arith.index_cast %parallel_loop3A_278 : i32 to index
      %parallel_loop3A_280 = arith.index_cast %parallel_loop3A_263 : i32 to index
      %parallel_loop3A_281 = arith.index_cast %parallel_loop3A_268 : i32 to index
      %parallel_loop3A_282 = tpu.vector_load %arg7[%parallel_loop3A_279, %parallel_loop3A_280, %parallel_loop3A_281] {strides = array<i32>} : memref<2x8x1025xf32, #tpu.memory_space<vmem>>, vector<16xf32>,
      tpu.vector_store %arg7[%parallel_loop3A_279, %parallel_loop3A_280, %parallel_loop3A_281], %parallel_loop3A_277 {strides = array<i32>} : memref<2x8x1025xf32, #tpu.memory_space<vmem>>, vector<16xf32>,
    } {sc.loop_unroll_factor = 8 : i64, sc.parallel_access}
    %gather3A_83 = arith.constant 0 : i32
    %gather3A_84 = arith.constant 0 : i32
    %gather3A_85 = arith.constant 0 : i32
    %gather3A_86 = tpu.memref_slice %arg6[%gather3A_83, %gather3A_84, %gather3A_85] : memref<2x8x1025xi32, #tpu.memory_space<vmem>> -> memref<1x8x1025xi32, #tpu.memory_space<vmem>>
    %gather3A_87 = tpu.memref_squeeze %gather3A_86 : memref<1x8x1025xi32, #tpu.memory_space<vmem>> -> memref<8x1025xi32, #tpu.memory_space<vmem>>
    %gather3A_88 = tpu.vector_load_idx %gather3A_87[%iota3A, %broadcast_in_dim3A_1] masked %lt3A_5 : memref<8x1025xi32, #tpu.memory_space<vmem>>[vector<16xi32>, vector<16xi32>], vector<16xi32>, vector<16xi1>
    %add3A_89 = arith.constant 3972 : i32
    %add3A_90 = vector.broadcast %add3A_89 : i32 to vector<16xi32>
    %add3A_91 = arith.addi %gather3A_88, %add3A_90 : vector<16xi32>
    %gather3A_92 = tpu.vector_load_idx %arg5[%add3A_91] masked %lt3A_5 : memref<63552xf32, #tpu.memory_space<vmem>>[vector<16xi32>], vector<16xf32>, vector<16xi1>
    %scatter3A_93 = arith.constant 1 : i32
    %scatter3A_94 = arith.constant 0 : i32
    %scatter3A_95 = arith.constant 0 : i32
    %scatter3A_96 = tpu.memref_slice %arg7[%scatter3A_93, %scatter3A_94, %scatter3A_95] : memref<2x8x1025xf32, #tpu.memory_space<vmem>> -> memref<1x8x1025xf32, #tpu.memory_space<vmem>>
    %scatter3A_97 = tpu.memref_squeeze %scatter3A_96 : memref<1x8x1025xf32, #tpu.memory_space<vmem>> -> memref<8x1025xf32, #tpu.memory_space<vmem>>
    tpu.vector_store_idx %scatter3A_97[%iota3A, %broadcast_in_dim3A_1], %gather3A_92 masked %lt3A_5 : memref<8x1025xf32, #tpu.memory_space<vmem>>[vector<16xi32>, vector<16xi32>], vector<16xf32>, vector<16xi1>
    %dma_start3A_98 = arith.constant 1 : i32
    %dma_start3A_99 = arith.constant 1 : i32
    %dma_start3A_100 = arith.constant 0 : i32
    %dma_start3A_101 = arith.constant 0 : i32
    %dma_start3A_102 = tpu.memref_slice %arg7[%dma_start3A_98, %dma_start3A_100, %dma_start3A_101] : memref<2x8x1025xf32, #tpu.memory_space<vmem>> -> memref<1x8x1025xf32, #tpu.memory_space<vmem>>
    %dma_start3A_103 = tpu.memref_squeeze %dma_start3A_102 : memref<1x8x1025xf32, #tpu.memory_space<vmem>> -> memref<8x1025xf32, #tpu.memory_space<vmem>>
    %dma_start3A_104 = arith.constant 0 : i32
    %dma_start3A_105 = tpu.memref_slice %arg4[%dma_start3A_99, %mul3A_7, %dma_start3A_104] : memref<16x1025x1025xf32, #tpu.memory_space<hbm>> -> memref<1x8x1025xf32, #tpu.memory_space<hbm>>
    %dma_start3A_106 = tpu.memref_squeeze %dma_start3A_105 : memref<1x8x1025xf32, #tpu.memory_space<hbm>> -> memref<8x1025xf32, #tpu.memory_space<hbm>>
    %dma_start3A_107 = arith.constant 0 : i32
    %dma_start3A_108 = tpu.memref_slice %arg4[%dma_start3A_99, %mul3A_7, %dma_start3A_107] : memref<16x1025x1025xf32, #tpu.memory_space<hbm>> -> memref<1x8x1025xf32, #tpu.memory_space<hbm>>
    %dma_start3A_109 = tpu.memref_squeeze %dma_start3A_108 : memref<1x8x1025xf32, #tpu.memory_space<hbm>> -> memref<8x1025xf32, #tpu.memory_space<hbm>>
    %dma_start3A_110 = arith.constant 0 : i32
    %dma_start3A_111 = arith.constant 0 : i32
    %dma_start3A_112 = tpu.memref_slice %arg7[%dma_start3A_98, %dma_start3A_110, %dma_start3A_111] : memref<2x8x1025xf32, #tpu.memory_space<vmem>> -> memref<1x8x1025xf32, #tpu.memory_space<vmem>>
    %dma_start3A_113 = tpu.memref_squeeze %dma_start3A_112 : memref<1x8x1025xf32, #tpu.memory_space<vmem>> -> memref<8x1025xf32, #tpu.memory_space<vmem>>
    tpu.enqueue_dma source(%dma_start3A_113 : memref<8x1025xf32, #tpu.memory_space<vmem>>) target(%dma_start3A_109 : memref<8x1025xf32, #tpu.memory_space<hbm>>) target_semaphore(%arg11 : memref<!tpu.dma_semaphore, #tpu.memory_space<semaphore_mem>>)
    %scan3A = arith.constant 0 : i32
    %scan3A_114 = arith.constant 2 : i32
    %scan3A_115 = arith.constant 14 : i32
    %scan3A_116 = arith.addi %scan3A_114, %scan3A_115 : i32
    %scan3A_117 = arith.constant 1 : i32
    %scan3A_118 = scf.for %scan3A_261 = %scan3A_114 to %scan3A_116 step %scan3A_117 iter_args(%scan3A_262 = %scan3A) -> (i32)  : i32 {
      %dma_wait3A_263 = arith.constant 0 : i32
      %dma_wait3A_264 = arith.constant 0 : i32
      %dma_wait3A_265 = arith.constant 0 : i32
      %dma_wait3A_266 = arith.constant 0 : i32
      %dma_wait3A_267 = tpu.memref_slice %arg7[%dma_wait3A_263, %dma_wait3A_265, %dma_wait3A_266] : memref<2x8x1025xf32, #tpu.memory_space<vmem>> -> memref<1x8x1025xf32, #tpu.memory_space<vmem>>
      %dma_wait3A_268 = tpu.memref_squeeze %dma_wait3A_267 : memref<1x8x1025xf32, #tpu.memory_space<vmem>> -> memref<8x1025xf32, #tpu.memory_space<vmem>>
      %dma_wait3A_269 = arith.constant 0 : i32
      %dma_wait3A_270 = arith.constant 0 : i32
      %dma_wait3A_271 = tpu.memref_slice %arg4[%dma_wait3A_264, %dma_wait3A_269, %dma_wait3A_270] : memref<16x1025x1025xf32, #tpu.memory_space<hbm>> -> memref<1x8x1025xf32, #tpu.memory_space<hbm>>
      %dma_wait3A_272 = tpu.memref_squeeze %dma_wait3A_271 : memref<1x8x1025xf32, #tpu.memory_space<hbm>> -> memref<8x1025xf32, #tpu.memory_space<hbm>>
      %dma_wait3A_273 = arith.constant 0 : i32
      %dma_wait3A_274 = arith.constant 0 : i32
      %dma_wait3A_275 = tpu.memref_slice %arg4[%dma_wait3A_264, %dma_wait3A_273, %dma_wait3A_274] : memref<16x1025x1025xf32, #tpu.memory_space<hbm>> -> memref<1x8x1025xf32, #tpu.memory_space<hbm>>
      %dma_wait3A_276 = tpu.memref_squeeze %dma_wait3A_275 : memref<1x8x1025xf32, #tpu.memory_space<hbm>> -> memref<8x1025xf32, #tpu.memory_space<hbm>>
      %dma_wait3A_277 = arith.constant 0 : i32
      %dma_wait3A_278 = arith.constant 0 : i32
      %dma_wait3A_279 = tpu.memref_slice %arg7[%dma_wait3A_263, %dma_wait3A_277, %dma_wait3A_278] : memref<2x8x1025xf32, #tpu.memory_space<vmem>> -> memref<1x8x1025xf32, #tpu.memory_space<vmem>>
      %dma_wait3A_280 = tpu.memref_squeeze %dma_wait3A_279 : memref<1x8x1025xf32, #tpu.memory_space<vmem>> -> memref<8x1025xf32, #tpu.memory_space<vmem>>
      tpu.wait_dma2 semaphore(%arg11 : memref<!tpu.dma_semaphore, #tpu.memory_space<semaphore_mem>>) src(%dma_wait3A_280 : memref<8x1025xf32, #tpu.memory_space<vmem>>) dst(%dma_wait3A_276 : memref<8x1025xf32, #tpu.memory_space<hbm>>)
      %and3A = arith.constant 1 : i32
      %and3A_281 = arith.andi %scan3A_261, %and3A : i32
      %mul3A_282 = arith.constant 3972 : i32
      %mul3A_283 = arith.muli %scan3A_261, %mul3A_282 : i32
      %parallel_loop3A_284 = arith.constant 0 : i32
      %parallel_loop3A_285 = arith.constant 512 : i32
      %parallel_loop3A_286 = arith.constant 1 : i32
      scf.for %parallel_loop3A_317 = %parallel_loop3A_284 to %parallel_loop3A_285 step %parallel_loop3A_286  : i32 {
        %parallel_loop3A_318 = arith.constant 6 : i32
        %parallel_loop3A_319 = arith.shrsi %parallel_loop3A_317, %parallel_loop3A_318 : i32
        %parallel_loop3A_320 = arith.constant 63 : i32
        %parallel_loop3A_321 = arith.andi %parallel_loop3A_317, %parallel_loop3A_320 : i32
        %parallel_loop3A_322 = arith.constant 16 : i32
        %parallel_loop3A_323 = arith.muli %parallel_loop3A_321, %parallel_loop3A_322 : i32
        %parallel_loop3A_324 = tpu.assume_multiple %parallel_loop3A_323, 16 : i32
        %parallel_loop3A_325 = arith.constant 0 : i32
        %parallel_loop3A_326 = arith.index_cast %parallel_loop3A_325 : i32 to index
        %parallel_loop3A_327 = arith.index_cast %parallel_loop3A_319 : i32 to index
        %parallel_loop3A_328 = arith.index_cast %parallel_loop3A_324 : i32 to index
        %parallel_loop3A_329 = tpu.vector_load %arg6[%parallel_loop3A_326, %parallel_loop3A_327, %parallel_loop3A_328] {strides = array<i32>} : memref<2x8x1025xi32, #tpu.memory_space<vmem>>, vector<16xi32>,
        %parallel_loop3A_330 = vector.broadcast %mul3A_283 : i32 to vector<16xi32>
        %parallel_loop3A_331 = arith.addi %parallel_loop3A_329, %parallel_loop3A_330 : vector<16xi32>
        %parallel_loop3A_332 = tpu.vector_load_idx %arg5[%parallel_loop3A_331] : memref<63552xf32, #tpu.memory_space<vmem>>[vector<16xi32>], vector<16xf32>,
        %parallel_loop3A_333 = arith.index_cast %and3A_281 : i32 to index
        %parallel_loop3A_334 = arith.index_cast %parallel_loop3A_319 : i32 to index
        %parallel_loop3A_335 = arith.index_cast %parallel_loop3A_324 : i32 to index
        %parallel_loop3A_336 = tpu.vector_load %arg7[%parallel_loop3A_333, %parallel_loop3A_334, %parallel_loop3A_335] {strides = array<i32>} : memref<2x8x1025xf32, #tpu.memory_space<vmem>>, vector<16xf32>,
        tpu.vector_store %arg7[%parallel_loop3A_333, %parallel_loop3A_334, %parallel_loop3A_335], %parallel_loop3A_332 {strides = array<i32>} : memref<2x8x1025xf32, #tpu.memory_space<vmem>>, vector<16xf32>,
      } {sc.loop_unroll_factor = 8 : i64, sc.parallel_access}
      %gather3A_287 = arith.constant 0 : i32
      %gather3A_288 = arith.constant 0 : i32
      %gather3A_289 = arith.constant 0 : i32
      %gather3A_290 = tpu.memref_slice %arg6[%gather3A_287, %gather3A_288, %gather3A_289] : memref<2x8x1025xi32, #tpu.memory_space<vmem>> -> memref<1x8x1025xi32, #tpu.memory_space<vmem>>
      %gather3A_291 = tpu.memref_squeeze %gather3A_290 : memref<1x8x1025xi32, #tpu.memory_space<vmem>> -> memref<8x1025xi32, #tpu.memory_space<vmem>>
      %gather3A_292 = tpu.vector_load_idx %gather3A_291[%iota3A, %broadcast_in_dim3A_1] masked %lt3A_5 : memref<8x1025xi32, #tpu.memory_space<vmem>>[vector<16xi32>, vector<16xi32>], vector<16xi32>, vector<16xi1>
      %add3A_293 = vector.broadcast %mul3A_283 : i32 to vector<16xi32>
      %add3A_294 = arith.addi %gather3A_292, %add3A_293 : vector<16xi32>
      %gather3A_295 = tpu.vector_load_idx %arg5[%add3A_294] masked %lt3A_5 : memref<63552xf32, #tpu.memory_space<vmem>>[vector<16xi32>], vector<16xf32>, vector<16xi1>
      %scatter3A_296 = arith.constant 0 : i32
      %scatter3A_297 = arith.constant 0 : i32
      %scatter3A_298 = tpu.memref_slice %arg7[%and3A_281, %scatter3A_296, %scatter3A_297] : memref<2x8x1025xf32, #tpu.memory_space<vmem>> -> memref<1x8x1025xf32, #tpu.memory_space<vmem>>
      %scatter3A_299 = tpu.memref_squeeze %scatter3A_298 : memref<1x8x1025xf32, #tpu.memory_space<vmem>> -> memref<8x1025xf32, #tpu.memory_space<vmem>>
      tpu.vector_store_idx %scatter3A_299[%iota3A, %broadcast_in_dim3A_1], %gather3A_295 masked %lt3A_5 : memref<8x1025xf32, #tpu.memory_space<vmem>>[vector<16xi32>, vector<16xi32>], vector<16xf32>, vector<16xi1>
      %and3A_300 = arith.constant 1 : i32
      %and3A_301 = arith.andi %scan3A_261, %and3A_300 : i32
      %dma_start3A_302 = arith.constant 0 : i32
      %dma_start3A_303 = arith.constant 0 : i32
      %dma_start3A_304 = tpu.memref_slice %arg7[%and3A_301, %dma_start3A_302, %dma_start3A_303] : memref<2x8x1025xf32, #tpu.memory_space<vmem>> -> memref<1x8x1025xf32, #tpu.memory_space<vmem>>
      %dma_start3A_305 = tpu.memref_squeeze %dma_start3A_304 : memref<1x8x1025xf32, #tpu.memory_space<vmem>> -> memref<8x1025xf32, #tpu.memory_space<vmem>>
      %dma_start3A_306 = arith.constant 0 : i32
      %dma_start3A_307 = tpu.memref_slice %arg4[%scan3A_261, %mul3A_7, %dma_start3A_306] : memref<16x1025x1025xf32, #tpu.memory_space<hbm>> -> memref<1x8x1025xf32, #tpu.memory_space<hbm>>
      %dma_start3A_308 = tpu.memref_squeeze %dma_start3A_307 : memref<1x8x1025xf32, #tpu.memory_space<hbm>> -> memref<8x1025xf32, #tpu.memory_space<hbm>>
      %dma_start3A_309 = arith.constant 0 : i32
      %dma_start3A_310 = tpu.memref_slice %arg4[%scan3A_261, %mul3A_7, %dma_start3A_309] : memref<16x1025x1025xf32, #tpu.memory_space<hbm>> -> memref<1x8x1025xf32, #tpu.memory_space<hbm>>
      %dma_start3A_311 = tpu.memref_squeeze %dma_start3A_310 : memref<1x8x1025xf32, #tpu.memory_space<hbm>> -> memref<8x1025xf32, #tpu.memory_space<hbm>>
      %dma_start3A_312 = arith.constant 0 : i32
      %dma_start3A_313 = arith.constant 0 : i32
      %dma_start3A_314 = tpu.memref_slice %arg7[%and3A_301, %dma_start3A_312, %dma_start3A_313] : memref<2x8x1025xf32, #tpu.memory_space<vmem>> -> memref<1x8x1025xf32, #tpu.memory_space<vmem>>
      %dma_start3A_315 = tpu.memref_squeeze %dma_start3A_314 : memref<1x8x1025xf32, #tpu.memory_space<vmem>> -> memref<8x1025xf32, #tpu.memory_space<vmem>>
      tpu.enqueue_dma source(%dma_start3A_315 : memref<8x1025xf32, #tpu.memory_space<vmem>>) target(%dma_start3A_311 : memref<8x1025xf32, #tpu.memory_space<hbm>>) target_semaphore(%arg11 : memref<!tpu.dma_semaphore, #tpu.memory_space<semaphore_mem>>)
      %scan3A_316 = arith.constant 0 : i32
      scf.yield %scan3A_316 : i32
    }
    %scan3A_119 = arith.constant 14 : i32
    %add3A_120 = arith.constant 16 : i32
    %add3A_121 = arith.addi %mul3A_7, %add3A_120 : i32
    %dma_start3A_122 = arith.constant 0 : i32
    %dma_start3A_123 = arith.constant 0 : i32
    %dma_start3A_124 = arith.constant 0 : i32
    %dma_start3A_125 = tpu.memref_slice %arg6[%dma_start3A_122, %dma_start3A_123, %dma_start3A_124] : memref<2x8x1025xi32, #tpu.memory_space<vmem>> -> memref<1x8x1025xi32, #tpu.memory_space<vmem>>
    %dma_start3A_126 = tpu.memref_squeeze %dma_start3A_125 : memref<1x8x1025xi32, #tpu.memory_space<vmem>> -> memref<8x1025xi32, #tpu.memory_space<vmem>>
    %dma_start3A_127 = arith.constant 0 : i32
    %dma_start3A_128 = tpu.memref_slice %arg3[%add3A_121, %dma_start3A_127] : memref<1025x1025xi32, #tpu.memory_space<hbm>> -> memref<8x1025xi32, #tpu.memory_space<hbm>>
    %dma_start3A_129 = arith.constant 0 : i32
    %dma_start3A_130 = arith.constant 0 : i32
    %dma_start3A_131 = tpu.memref_slice %arg6[%dma_start3A_122, %dma_start3A_129, %dma_start3A_130] : memref<2x8x1025xi32, #tpu.memory_space<vmem>> -> memref<1x8x1025xi32, #tpu.memory_space<vmem>>
    %dma_start3A_132 = tpu.memref_squeeze %dma_start3A_131 : memref<1x8x1025xi32, #tpu.memory_space<vmem>> -> memref<8x1025xi32, #tpu.memory_space<vmem>>
    %dma_start3A_133 = arith.constant 0 : i32
    %dma_start3A_134 = tpu.memref_slice %arg3[%add3A_121, %dma_start3A_133] : memref<1025x1025xi32, #tpu.memory_space<hbm>> -> memref<8x1025xi32, #tpu.memory_space<hbm>>
    tpu.enqueue_dma source(%dma_start3A_134 : memref<8x1025xi32, #tpu.memory_space<hbm>>) target(%dma_start3A_132 : memref<8x1025xi32, #tpu.memory_space<vmem>>) target_semaphore(%arg10 : memref<!tpu.dma_semaphore, #tpu.memory_space<semaphore_mem>>)
    %dma_wait3A_135 = arith.constant 0 : i32
    %dma_wait3A_136 = arith.constant 0 : i32
    %dma_wait3A_137 = arith.constant 0 : i32
    %dma_wait3A_138 = tpu.memref_slice %arg6[%dma_wait3A_135, %dma_wait3A_136, %dma_wait3A_137] : memref<2x8x1025xi32, #tpu.memory_space<vmem>> -> memref<1x8x1025xi32, #tpu.memory_space<vmem>>
    %dma_wait3A_139 = tpu.memref_squeeze %dma_wait3A_138 : memref<1x8x1025xi32, #tpu.memory_space<vmem>> -> memref<8x1025xi32, #tpu.memory_space<vmem>>
    %dma_wait3A_140 = arith.constant 0 : i32
    %dma_wait3A_141 = arith.constant 0 : i32
    %dma_wait3A_142 = tpu.memref_slice %arg3[%dma_wait3A_140, %dma_wait3A_141] : memref<1025x1025xi32, #tpu.memory_space<hbm>> -> memref<8x1025xi32, #tpu.memory_space<hbm>>
    %dma_wait3A_143 = arith.constant 0 : i32
    %dma_wait3A_144 = arith.constant 0 : i32
    %dma_wait3A_145 = tpu.memref_slice %arg6[%dma_wait3A_135, %dma_wait3A_143, %dma_wait3A_144] : memref<2x8x1025xi32, #tpu.memory_space<vmem>> -> memref<1x8x1025xi32, #tpu.memory_space<vmem>>
    %dma_wait3A_146 = tpu.memref_squeeze %dma_wait3A_145 : memref<1x8x1025xi32, #tpu.memory_space<vmem>> -> memref<8x1025xi32, #tpu.memory_space<vmem>>
    %dma_wait3A_147 = arith.constant 0 : i32
    %dma_wait3A_148 = arith.constant 0 : i32
    %dma_wait3A_149 = tpu.memref_slice %arg3[%dma_wait3A_147, %dma_wait3A_148] : memref<1025x1025xi32, #tpu.memory_space<hbm>> -> memref<8x1025xi32, #tpu.memory_space<hbm>>
    tpu.wait_dma2 semaphore(%arg10 : memref<!tpu.dma_semaphore, #tpu.memory_space<semaphore_mem>>) src(%dma_wait3A_149 : memref<8x1025xi32, #tpu.memory_space<hbm>>) dst(%dma_wait3A_146 : memref<8x1025xi32, #tpu.memory_space<vmem>>)
    %add3A_150 = arith.constant 8 : i32
    %add3A_151 = arith.addi %mul3A_7, %add3A_150 : i32
    %scan3A_152 = arith.constant 0 : i32
    %scan3A_153 = arith.constant 0 : i32
    %scan3A_154 = arith.constant 16 : i32
    %scan3A_155 = arith.addi %scan3A_153, %scan3A_154 : i32
    %scan3A_156 = arith.constant 1 : i32
    %scan3A_157 = scf.for %scan3A_261 = %scan3A_153 to %scan3A_155 step %scan3A_156 iter_args(%scan3A_262 = %scan3A_152) -> (i32)  : i32 {
      %dma_wait3A_263 = arith.constant 0 : i32
      %dma_wait3A_264 = arith.constant 0 : i32
      %dma_wait3A_265 = arith.constant 0 : i32
      %dma_wait3A_266 = arith.constant 0 : i32
      %dma_wait3A_267 = tpu.memref_slice %arg7[%dma_wait3A_263, %dma_wait3A_265, %dma_wait3A_266] : memref<2x8x1025xf32, #tpu.memory_space<vmem>> -> memref<1x8x1025xf32, #tpu.memory_space<vmem>>
      %dma_wait3A_268 = tpu.memref_squeeze %dma_wait3A_267 : memref<1x8x1025xf32, #tpu.memory_space<vmem>> -> memref<8x1025xf32, #tpu.memory_space<vmem>>
      %dma_wait3A_269 = arith.constant 0 : i32
      %dma_wait3A_270 = arith.constant 0 : i32
      %dma_wait3A_271 = tpu.memref_slice %arg4[%dma_wait3A_264, %dma_wait3A_269, %dma_wait3A_270] : memref<16x1025x1025xf32, #tpu.memory_space<hbm>> -> memref<1x8x1025xf32, #tpu.memory_space<hbm>>
      %dma_wait3A_272 = tpu.memref_squeeze %dma_wait3A_271 : memref<1x8x1025xf32, #tpu.memory_space<hbm>> -> memref<8x1025xf32, #tpu.memory_space<hbm>>
      %dma_wait3A_273 = arith.constant 0 : i32
      %dma_wait3A_274 = arith.constant 0 : i32
      %dma_wait3A_275 = tpu.memref_slice %arg4[%dma_wait3A_264, %dma_wait3A_273, %dma_wait3A_274] : memref<16x1025x1025xf32, #tpu.memory_space<hbm>> -> memref<1x8x1025xf32, #tpu.memory_space<hbm>>
      %dma_wait3A_276 = tpu.memref_squeeze %dma_wait3A_275 : memref<1x8x1025xf32, #tpu.memory_space<hbm>> -> memref<8x1025xf32, #tpu.memory_space<hbm>>
      %dma_wait3A_277 = arith.constant 0 : i32
      %dma_wait3A_278 = arith.constant 0 : i32
      %dma_wait3A_279 = tpu.memref_slice %arg7[%dma_wait3A_263, %dma_wait3A_277, %dma_wait3A_278] : memref<2x8x1025xf32, #tpu.memory_space<vmem>> -> memref<1x8x1025xf32, #tpu.memory_space<vmem>>
      %dma_wait3A_280 = tpu.memref_squeeze %dma_wait3A_279 : memref<1x8x1025xf32, #tpu.memory_space<vmem>> -> memref<8x1025xf32, #tpu.memory_space<vmem>>
      tpu.wait_dma2 semaphore(%arg11 : memref<!tpu.dma_semaphore, #tpu.memory_space<semaphore_mem>>) src(%dma_wait3A_280 : memref<8x1025xf32, #tpu.memory_space<vmem>>) dst(%dma_wait3A_276 : memref<8x1025xf32, #tpu.memory_space<hbm>>)
      %and3A = arith.constant 1 : i32
      %and3A_281 = arith.andi %scan3A_261, %and3A : i32
      %mul3A_282 = arith.constant 3972 : i32
      %mul3A_283 = arith.muli %scan3A_261, %mul3A_282 : i32
      %parallel_loop3A_284 = arith.constant 0 : i32
      %parallel_loop3A_285 = arith.constant 512 : i32
      %parallel_loop3A_286 = arith.constant 1 : i32
      scf.for %parallel_loop3A_317 = %parallel_loop3A_284 to %parallel_loop3A_285 step %parallel_loop3A_286  : i32 {
        %parallel_loop3A_318 = arith.constant 6 : i32
        %parallel_loop3A_319 = arith.shrsi %parallel_loop3A_317, %parallel_loop3A_318 : i32
        %parallel_loop3A_320 = arith.constant 63 : i32
        %parallel_loop3A_321 = arith.andi %parallel_loop3A_317, %parallel_loop3A_320 : i32
        %parallel_loop3A_322 = arith.constant 16 : i32
        %parallel_loop3A_323 = arith.muli %parallel_loop3A_321, %parallel_loop3A_322 : i32
        %parallel_loop3A_324 = tpu.assume_multiple %parallel_loop3A_323, 16 : i32
        %parallel_loop3A_325 = arith.constant 1 : i32
        %parallel_loop3A_326 = arith.index_cast %parallel_loop3A_325 : i32 to index
        %parallel_loop3A_327 = arith.index_cast %parallel_loop3A_319 : i32 to index
        %parallel_loop3A_328 = arith.index_cast %parallel_loop3A_324 : i32 to index
        %parallel_loop3A_329 = tpu.vector_load %arg6[%parallel_loop3A_326, %parallel_loop3A_327, %parallel_loop3A_328] {strides = array<i32>} : memref<2x8x1025xi32, #tpu.memory_space<vmem>>, vector<16xi32>,
        %parallel_loop3A_330 = vector.broadcast %mul3A_283 : i32 to vector<16xi32>
        %parallel_loop3A_331 = arith.addi %parallel_loop3A_329, %parallel_loop3A_330 : vector<16xi32>
        %parallel_loop3A_332 = tpu.vector_load_idx %arg5[%parallel_loop3A_331] : memref<63552xf32, #tpu.memory_space<vmem>>[vector<16xi32>], vector<16xf32>,
        %parallel_loop3A_333 = arith.index_cast %and3A_281 : i32 to index
        %parallel_loop3A_334 = arith.index_cast %parallel_loop3A_319 : i32 to index
        %parallel_loop3A_335 = arith.index_cast %parallel_loop3A_324 : i32 to index
        %parallel_loop3A_336 = tpu.vector_load %arg7[%parallel_loop3A_333, %parallel_loop3A_334, %parallel_loop3A_335] {strides = array<i32>} : memref<2x8x1025xf32, #tpu.memory_space<vmem>>, vector<16xf32>,
        tpu.vector_store %arg7[%parallel_loop3A_333, %parallel_loop3A_334, %parallel_loop3A_335], %parallel_loop3A_332 {strides = array<i32>} : memref<2x8x1025xf32, #tpu.memory_space<vmem>>, vector<16xf32>,
      } {sc.loop_unroll_factor = 8 : i64, sc.parallel_access}
      %gather3A_287 = arith.constant 1 : i32
      %gather3A_288 = arith.constant 0 : i32
      %gather3A_289 = arith.constant 0 : i32
      %gather3A_290 = tpu.memref_slice %arg6[%gather3A_287, %gather3A_288, %gather3A_289] : memref<2x8x1025xi32, #tpu.memory_space<vmem>> -> memref<1x8x1025xi32, #tpu.memory_space<vmem>>
      %gather3A_291 = tpu.memref_squeeze %gather3A_290 : memref<1x8x1025xi32, #tpu.memory_space<vmem>> -> memref<8x1025xi32, #tpu.memory_space<vmem>>
      %gather3A_292 = tpu.vector_load_idx %gather3A_291[%iota3A, %broadcast_in_dim3A_1] masked %lt3A_5 : memref<8x1025xi32, #tpu.memory_space<vmem>>[vector<16xi32>, vector<16xi32>], vector<16xi32>, vector<16xi1>
      %add3A_293 = vector.broadcast %mul3A_283 : i32 to vector<16xi32>
      %add3A_294 = arith.addi %gather3A_292, %add3A_293 : vector<16xi32>
      %gather3A_295 = tpu.vector_load_idx %arg5[%add3A_294] masked %lt3A_5 : memref<63552xf32, #tpu.memory_space<vmem>>[vector<16xi32>], vector<16xf32>, vector<16xi1>
      %scatter3A_296 = arith.constant 0 : i32
      %scatter3A_297 = arith.constant 0 : i32
      %scatter3A_298 = tpu.memref_slice %arg7[%and3A_281, %scatter3A_296, %scatter3A_297] : memref<2x8x1025xf32, #tpu.memory_space<vmem>> -> memref<1x8x1025xf32, #tpu.memory_space<vmem>>
      %scatter3A_299 = tpu.memref_squeeze %scatter3A_298 : memref<1x8x1025xf32, #tpu.memory_space<vmem>> -> memref<8x1025xf32, #tpu.memory_space<vmem>>
      tpu.vector_store_idx %scatter3A_299[%iota3A, %broadcast_in_dim3A_1], %gather3A_295 masked %lt3A_5 : memref<8x1025xf32, #tpu.memory_space<vmem>>[vector<16xi32>, vector<16xi32>], vector<16xf32>, vector<16xi1>
      %and3A_300 = arith.constant 1 : i32
      %and3A_301 = arith.andi %scan3A_261, %and3A_300 : i32
      %dma_start3A_302 = arith.constant 0 : i32
      %dma_start3A_303 = arith.constant 0 : i32
      %dma_start3A_304 = tpu.memref_slice %arg7[%and3A_301, %dma_start3A_302, %dma_start3A_303] : memref<2x8x1025xf32, #tpu.memory_space<vmem>> -> memref<1x8x1025xf32, #tpu.memory_space<vmem>>
      %dma_start3A_305 = tpu.memref_squeeze %dma_start3A_304 : memref<1x8x1025xf32, #tpu.memory_space<vmem>> -> memref<8x1025xf32, #tpu.memory_space<vmem>>
      %dma_start3A_306 = arith.constant 0 : i32
      %dma_start3A_307 = tpu.memref_slice %arg4[%scan3A_261, %add3A_151, %dma_start3A_306] : memref<16x1025x1025xf32, #tpu.memory_space<hbm>> -> memref<1x8x1025xf32, #tpu.memory_space<hbm>>
      %dma_start3A_308 = tpu.memref_squeeze %dma_start3A_307 : memref<1x8x1025xf32, #tpu.memory_space<hbm>> -> memref<8x1025xf32, #tpu.memory_space<hbm>>
      %dma_start3A_309 = arith.constant 0 : i32
      %dma_start3A_310 = tpu.memref_slice %arg4[%scan3A_261, %add3A_151, %dma_start3A_309] : memref<16x1025x1025xf32, #tpu.memory_space<hbm>> -> memref<1x8x1025xf32, #tpu.memory_space<hbm>>
      %dma_start3A_311 = tpu.memref_squeeze %dma_start3A_310 : memref<1x8x1025xf32, #tpu.memory_space<hbm>> -> memref<8x1025xf32, #tpu.memory_space<hbm>>
      %dma_start3A_312 = arith.constant 0 : i32
      %dma_start3A_313 = arith.constant 0 : i32
      %dma_start3A_314 = tpu.memref_slice %arg7[%and3A_301, %dma_start3A_312, %dma_start3A_313] : memref<2x8x1025xf32, #tpu.memory_space<vmem>> -> memref<1x8x1025xf32, #tpu.memory_space<vmem>>
      %dma_start3A_315 = tpu.memref_squeeze %dma_start3A_314 : memref<1x8x1025xf32, #tpu.memory_space<vmem>> -> memref<8x1025xf32, #tpu.memory_space<vmem>>
      tpu.enqueue_dma source(%dma_start3A_315 : memref<8x1025xf32, #tpu.memory_space<vmem>>) target(%dma_start3A_311 : memref<8x1025xf32, #tpu.memory_space<hbm>>) target_semaphore(%arg11 : memref<!tpu.dma_semaphore, #tpu.memory_space<semaphore_mem>>)
      %scan3A_316 = arith.constant 0 : i32
      scf.yield %scan3A_316 : i32
    }
    %scan3A_158 = arith.constant 16 : i32
    %add3A_159 = arith.constant 24 : i32
    %add3A_160 = arith.addi %mul3A_7, %add3A_159 : i32
    %dma_start3A_161 = arith.constant 1 : i32
    %dma_start3A_162 = arith.constant 0 : i32
    %dma_start3A_163 = arith.constant 0 : i32
    %dma_start3A_164 = tpu.memref_slice %arg6[%dma_start3A_161, %dma_start3A_162, %dma_start3A_163] : memref<2x8x1025xi32, #tpu.memory_space<vmem>> -> memref<1x8x1025xi32, #tpu.memory_space<vmem>>
    %dma_start3A_165 = tpu.memref_squeeze %dma_start3A_164 : memref<1x8x1025xi32, #tpu.memory_space<vmem>> -> memref<8x1025xi32, #tpu.memory_space<vmem>>
    %dma_start3A_166 = arith.constant 0 : i32
    %dma_start3A_167 = tpu.memref_slice %arg3[%add3A_160, %dma_start3A_166] : memref<1025x1025xi32, #tpu.memory_space<hbm>> -> memref<8x1025xi32, #tpu.memory_space<hbm>>
    %dma_start3A_168 = arith.constant 0 : i32
    %dma_start3A_169 = arith.constant 0 : i32
    %dma_start3A_170 = tpu.memref_slice %arg6[%dma_start3A_161, %dma_start3A_168, %dma_start3A_169] : memref<2x8x1025xi32, #tpu.memory_space<vmem>> -> memref<1x8x1025xi32, #tpu.memory_space<vmem>>
    %dma_start3A_171 = tpu.memref_squeeze %dma_start3A_170 : memref<1x8x1025xi32, #tpu.memory_space<vmem>> -> memref<8x1025xi32, #tpu.memory_space<vmem>>
    %dma_start3A_172 = arith.constant 0 : i32
    %dma_start3A_173 = tpu.memref_slice %arg3[%add3A_160, %dma_start3A_172] : memref<1025x1025xi32, #tpu.memory_space<hbm>> -> memref<8x1025xi32, #tpu.memory_space<hbm>>
    tpu.enqueue_dma source(%dma_start3A_173 : memref<8x1025xi32, #tpu.memory_space<hbm>>) target(%dma_start3A_171 : memref<8x1025xi32, #tpu.memory_space<vmem>>) target_semaphore(%arg10 : memref<!tpu.dma_semaphore, #tpu.memory_space<semaphore_mem>>)
    %dma_wait3A_174 = arith.constant 0 : i32
    %dma_wait3A_175 = arith.constant 0 : i32
    %dma_wait3A_176 = arith.constant 0 : i32
    %dma_wait3A_177 = tpu.memref_slice %arg6[%dma_wait3A_174, %dma_wait3A_175, %dma_wait3A_176] : memref<2x8x1025xi32, #tpu.memory_space<vmem>> -> memref<1x8x1025xi32, #tpu.memory_space<vmem>>
    %dma_wait3A_178 = tpu.memref_squeeze %dma_wait3A_177 : memref<1x8x1025xi32, #tpu.memory_space<vmem>> -> memref<8x1025xi32, #tpu.memory_space<vmem>>
    %dma_wait3A_179 = arith.constant 0 : i32
    %dma_wait3A_180 = arith.constant 0 : i32
    %dma_wait3A_181 = tpu.memref_slice %arg3[%dma_wait3A_179, %dma_wait3A_180] : memref<1025x1025xi32, #tpu.memory_space<hbm>> -> memref<8x1025xi32, #tpu.memory_space<hbm>>
    %dma_wait3A_182 = arith.constant 0 : i32
    %dma_wait3A_183 = arith.constant 0 : i32
    %dma_wait3A_184 = tpu.memref_slice %arg6[%dma_wait3A_174, %dma_wait3A_182, %dma_wait3A_183] : memref<2x8x1025xi32, #tpu.memory_space<vmem>> -> memref<1x8x1025xi32, #tpu.memory_space<vmem>>
    %dma_wait3A_185 = tpu.memref_squeeze %dma_wait3A_184 : memref<1x8x1025xi32, #tpu.memory_space<vmem>> -> memref<8x1025xi32, #tpu.memory_space<vmem>>
    %dma_wait3A_186 = arith.constant 0 : i32
    %dma_wait3A_187 = arith.constant 0 : i32
    %dma_wait3A_188 = tpu.memref_slice %arg3[%dma_wait3A_186, %dma_wait3A_187] : memref<1025x1025xi32, #tpu.memory_space<hbm>> -> memref<8x1025xi32, #tpu.memory_space<hbm>>
    tpu.wait_dma2 semaphore(%arg10 : memref<!tpu.dma_semaphore, #tpu.memory_space<semaphore_mem>>) src(%dma_wait3A_188 : memref<8x1025xi32, #tpu.memory_space<hbm>>) dst(%dma_wait3A_185 : memref<8x1025xi32, #tpu.memory_space<vmem>>)
    %add3A_189 = arith.constant 16 : i32
    %add3A_190 = arith.addi %mul3A_7, %add3A_189 : i32
    %scan3A_191 = arith.constant 0 : i32
    %scan3A_192 = arith.constant 0 : i32
    %scan3A_193 = arith.constant 16 : i32
    %scan3A_194 = arith.addi %scan3A_192, %scan3A_193 : i32
    %scan3A_195 = arith.constant 1 : i32
    %scan3A_196 = scf.for %scan3A_261 = %scan3A_192 to %scan3A_194 step %scan3A_195 iter_args(%scan3A_262 = %scan3A_191) -> (i32)  : i32 {
      %dma_wait3A_263 = arith.constant 0 : i32
      %dma_wait3A_264 = arith.constant 0 : i32
      %dma_wait3A_265 = arith.constant 0 : i32
      %dma_wait3A_266 = arith.constant 0 : i32
      %dma_wait3A_267 = tpu.memref_slice %arg7[%dma_wait3A_263, %dma_wait3A_265, %dma_wait3A_266] : memref<2x8x1025xf32, #tpu.memory_space<vmem>> -> memref<1x8x1025xf32, #tpu.memory_space<vmem>>
      %dma_wait3A_268 = tpu.memref_squeeze %dma_wait3A_267 : memref<1x8x1025xf32, #tpu.memory_space<vmem>> -> memref<8x1025xf32, #tpu.memory_space<vmem>>
      %dma_wait3A_269 = arith.constant 0 : i32
      %dma_wait3A_270 = arith.constant 0 : i32
      %dma_wait3A_271 = tpu.memref_slice %arg4[%dma_wait3A_264, %dma_wait3A_269, %dma_wait3A_270] : memref<16x1025x1025xf32, #tpu.memory_space<hbm>> -> memref<1x8x1025xf32, #tpu.memory_space<hbm>>
      %dma_wait3A_272 = tpu.memref_squeeze %dma_wait3A_271 : memref<1x8x1025xf32, #tpu.memory_space<hbm>> -> memref<8x1025xf32, #tpu.memory_space<hbm>>
      %dma_wait3A_273 = arith.constant 0 : i32
      %dma_wait3A_274 = arith.constant 0 : i32
      %dma_wait3A_275 = tpu.memref_slice %arg4[%dma_wait3A_264, %dma_wait3A_273, %dma_wait3A_274] : memref<16x1025x1025xf32, #tpu.memory_space<hbm>> -> memref<1x8x1025xf32, #tpu.memory_space<hbm>>
      %dma_wait3A_276 = tpu.memref_squeeze %dma_wait3A_275 : memref<1x8x1025xf32, #tpu.memory_space<hbm>> -> memref<8x1025xf32, #tpu.memory_space<hbm>>
      %dma_wait3A_277 = arith.constant 0 : i32
      %dma_wait3A_278 = arith.constant 0 : i32
      %dma_wait3A_279 = tpu.memref_slice %arg7[%dma_wait3A_263, %dma_wait3A_277, %dma_wait3A_278] : memref<2x8x1025xf32, #tpu.memory_space<vmem>> -> memref<1x8x1025xf32, #tpu.memory_space<vmem>>
      %dma_wait3A_280 = tpu.memref_squeeze %dma_wait3A_279 : memref<1x8x1025xf32, #tpu.memory_space<vmem>> -> memref<8x1025xf32, #tpu.memory_space<vmem>>
      tpu.wait_dma2 semaphore(%arg11 : memref<!tpu.dma_semaphore, #tpu.memory_space<semaphore_mem>>) src(%dma_wait3A_280 : memref<8x1025xf32, #tpu.memory_space<vmem>>) dst(%dma_wait3A_276 : memref<8x1025xf32, #tpu.memory_space<hbm>>)
      %and3A = arith.constant 1 : i32
      %and3A_281 = arith.andi %scan3A_261, %and3A : i32
      %mul3A_282 = arith.constant 3972 : i32
      %mul3A_283 = arith.muli %scan3A_261, %mul3A_282 : i32
      %parallel_loop3A_284 = arith.constant 0 : i32
      %parallel_loop3A_285 = arith.constant 512 : i32
      %parallel_loop3A_286 = arith.constant 1 : i32
      scf.for %parallel_loop3A_317 = %parallel_loop3A_284 to %parallel_loop3A_285 step %parallel_loop3A_286  : i32 {
        %parallel_loop3A_318 = arith.constant 6 : i32
        %parallel_loop3A_319 = arith.shrsi %parallel_loop3A_317, %parallel_loop3A_318 : i32
        %parallel_loop3A_320 = arith.constant 63 : i32
        %parallel_loop3A_321 = arith.andi %parallel_loop3A_317, %parallel_loop3A_320 : i32
        %parallel_loop3A_322 = arith.constant 16 : i32
        %parallel_loop3A_323 = arith.muli %parallel_loop3A_321, %parallel_loop3A_322 : i32
        %parallel_loop3A_324 = tpu.assume_multiple %parallel_loop3A_323, 16 : i32
        %parallel_loop3A_325 = arith.constant 0 : i32
        %parallel_loop3A_326 = arith.index_cast %parallel_loop3A_325 : i32 to index
        %parallel_loop3A_327 = arith.index_cast %parallel_loop3A_319 : i32 to index
        %parallel_loop3A_328 = arith.index_cast %parallel_loop3A_324 : i32 to index
        %parallel_loop3A_329 = tpu.vector_load %arg6[%parallel_loop3A_326, %parallel_loop3A_327, %parallel_loop3A_328] {strides = array<i32>} : memref<2x8x1025xi32, #tpu.memory_space<vmem>>, vector<16xi32>,
        %parallel_loop3A_330 = vector.broadcast %mul3A_283 : i32 to vector<16xi32>
        %parallel_loop3A_331 = arith.addi %parallel_loop3A_329, %parallel_loop3A_330 : vector<16xi32>
        %parallel_loop3A_332 = tpu.vector_load_idx %arg5[%parallel_loop3A_331] : memref<63552xf32, #tpu.memory_space<vmem>>[vector<16xi32>], vector<16xf32>,
        %parallel_loop3A_333 = arith.index_cast %and3A_281 : i32 to index
        %parallel_loop3A_334 = arith.index_cast %parallel_loop3A_319 : i32 to index
        %parallel_loop3A_335 = arith.index_cast %parallel_loop3A_324 : i32 to index
        %parallel_loop3A_336 = tpu.vector_load %arg7[%parallel_loop3A_333, %parallel_loop3A_334, %parallel_loop3A_335] {strides = array<i32>} : memref<2x8x1025xf32, #tpu.memory_space<vmem>>, vector<16xf32>,
        tpu.vector_store %arg7[%parallel_loop3A_333, %parallel_loop3A_334, %parallel_loop3A_335], %parallel_loop3A_332 {strides = array<i32>} : memref<2x8x1025xf32, #tpu.memory_space<vmem>>, vector<16xf32>,
      } {sc.loop_unroll_factor = 8 : i64, sc.parallel_access}
      %gather3A_287 = arith.constant 0 : i32
      %gather3A_288 = arith.constant 0 : i32
      %gather3A_289 = arith.constant 0 : i32
      %gather3A_290 = tpu.memref_slice %arg6[%gather3A_287, %gather3A_288, %gather3A_289] : memref<2x8x1025xi32, #tpu.memory_space<vmem>> -> memref<1x8x1025xi32, #tpu.memory_space<vmem>>
      %gather3A_291 = tpu.memref_squeeze %gather3A_290 : memref<1x8x1025xi32, #tpu.memory_space<vmem>> -> memref<8x1025xi32, #tpu.memory_space<vmem>>
      %gather3A_292 = tpu.vector_load_idx %gather3A_291[%iota3A, %broadcast_in_dim3A_1] masked %lt3A_5 : memref<8x1025xi32, #tpu.memory_space<vmem>>[vector<16xi32>, vector<16xi32>], vector<16xi32>, vector<16xi1>
      %add3A_293 = vector.broadcast %mul3A_283 : i32 to vector<16xi32>
      %add3A_294 = arith.addi %gather3A_292, %add3A_293 : vector<16xi32>
      %gather3A_295 = tpu.vector_load_idx %arg5[%add3A_294] masked %lt3A_5 : memref<63552xf32, #tpu.memory_space<vmem>>[vector<16xi32>], vector<16xf32>, vector<16xi1>
      %scatter3A_296 = arith.constant 0 : i32
      %scatter3A_297 = arith.constant 0 : i32
      %scatter3A_298 = tpu.memref_slice %arg7[%and3A_281, %scatter3A_296, %scatter3A_297] : memref<2x8x1025xf32, #tpu.memory_space<vmem>> -> memref<1x8x1025xf32, #tpu.memory_space<vmem>>
      %scatter3A_299 = tpu.memref_squeeze %scatter3A_298 : memref<1x8x1025xf32, #tpu.memory_space<vmem>> -> memref<8x1025xf32, #tpu.memory_space<vmem>>
      tpu.vector_store_idx %scatter3A_299[%iota3A, %broadcast_in_dim3A_1], %gather3A_295 masked %lt3A_5 : memref<8x1025xf32, #tpu.memory_space<vmem>>[vector<16xi32>, vector<16xi32>], vector<16xf32>, vector<16xi1>
      %and3A_300 = arith.constant 1 : i32
      %and3A_301 = arith.andi %scan3A_261, %and3A_300 : i32
      %dma_start3A_302 = arith.constant 0 : i32
      %dma_start3A_303 = arith.constant 0 : i32
      %dma_start3A_304 = tpu.memref_slice %arg7[%and3A_301, %dma_start3A_302, %dma_start3A_303] : memref<2x8x1025xf32, #tpu.memory_space<vmem>> -> memref<1x8x1025xf32, #tpu.memory_space<vmem>>
      %dma_start3A_305 = tpu.memref_squeeze %dma_start3A_304 : memref<1x8x1025xf32, #tpu.memory_space<vmem>> -> memref<8x1025xf32, #tpu.memory_space<vmem>>
      %dma_start3A_306 = arith.constant 0 : i32
      %dma_start3A_307 = tpu.memref_slice %arg4[%scan3A_261, %add3A_190, %dma_start3A_306] : memref<16x1025x1025xf32, #tpu.memory_space<hbm>> -> memref<1x8x1025xf32, #tpu.memory_space<hbm>>
      %dma_start3A_308 = tpu.memref_squeeze %dma_start3A_307 : memref<1x8x1025xf32, #tpu.memory_space<hbm>> -> memref<8x1025xf32, #tpu.memory_space<hbm>>
      %dma_start3A_309 = arith.constant 0 : i32
      %dma_start3A_310 = tpu.memref_slice %arg4[%scan3A_261, %add3A_190, %dma_start3A_309] : memref<16x1025x1025xf32, #tpu.memory_space<hbm>> -> memref<1x8x1025xf32, #tpu.memory_space<hbm>>
      %dma_start3A_311 = tpu.memref_squeeze %dma_start3A_310 : memref<1x8x1025xf32, #tpu.memory_space<hbm>> -> memref<8x1025xf32, #tpu.memory_space<hbm>>
      %dma_start3A_312 = arith.constant 0 : i32
      %dma_start3A_313 = arith.constant 0 : i32
      %dma_start3A_314 = tpu.memref_slice %arg7[%and3A_301, %dma_start3A_312, %dma_start3A_313] : memref<2x8x1025xf32, #tpu.memory_space<vmem>> -> memref<1x8x1025xf32, #tpu.memory_space<vmem>>
      %dma_start3A_315 = tpu.memref_squeeze %dma_start3A_314 : memref<1x8x1025xf32, #tpu.memory_space<vmem>> -> memref<8x1025xf32, #tpu.memory_space<vmem>>
      tpu.enqueue_dma source(%dma_start3A_315 : memref<8x1025xf32, #tpu.memory_space<vmem>>) target(%dma_start3A_311 : memref<8x1025xf32, #tpu.memory_space<hbm>>) target_semaphore(%arg11 : memref<!tpu.dma_semaphore, #tpu.memory_space<semaphore_mem>>)
      %scan3A_316 = arith.constant 0 : i32
      scf.yield %scan3A_316 : i32
    }
    %scan3A_197 = arith.constant 16 : i32
    %dma_wait3A_198 = arith.constant 0 : i32
    %dma_wait3A_199 = arith.constant 0 : i32
    %dma_wait3A_200 = arith.constant 0 : i32
    %dma_wait3A_201 = tpu.memref_slice %arg6[%dma_wait3A_198, %dma_wait3A_199, %dma_wait3A_200] : memref<2x8x1025xi32, #tpu.memory_space<vmem>> -> memref<1x8x1025xi32, #tpu.memory_space<vmem>>
    %dma_wait3A_202 = tpu.memref_squeeze %dma_wait3A_201 : memref<1x8x1025xi32, #tpu.memory_space<vmem>> -> memref<8x1025xi32, #tpu.memory_space<vmem>>
    %dma_wait3A_203 = arith.constant 0 : i32
    %dma_wait3A_204 = arith.constant 0 : i32
    %dma_wait3A_205 = tpu.memref_slice %arg3[%dma_wait3A_203, %dma_wait3A_204] : memref<1025x1025xi32, #tpu.memory_space<hbm>> -> memref<8x1025xi32, #tpu.memory_space<hbm>>
    %dma_wait3A_206 = arith.constant 0 : i32
    %dma_wait3A_207 = arith.constant 0 : i32
    %dma_wait3A_208 = tpu.memref_slice %arg6[%dma_wait3A_198, %dma_wait3A_206, %dma_wait3A_207] : memref<2x8x1025xi32, #tpu.memory_space<vmem>> -> memref<1x8x1025xi32, #tpu.memory_space<vmem>>
    %dma_wait3A_209 = tpu.memref_squeeze %dma_wait3A_208 : memref<1x8x1025xi32, #tpu.memory_space<vmem>> -> memref<8x1025xi32, #tpu.memory_space<vmem>>
    %dma_wait3A_210 = arith.constant 0 : i32
    %dma_wait3A_211 = arith.constant 0 : i32
    %dma_wait3A_212 = tpu.memref_slice %arg3[%dma_wait3A_210, %dma_wait3A_211] : memref<1025x1025xi32, #tpu.memory_space<hbm>> -> memref<8x1025xi32, #tpu.memory_space<hbm>>
    tpu.wait_dma2 semaphore(%arg10 : memref<!tpu.dma_semaphore, #tpu.memory_space<semaphore_mem>>) src(%dma_wait3A_212 : memref<8x1025xi32, #tpu.memory_space<hbm>>) dst(%dma_wait3A_209 : memref<8x1025xi32, #tpu.memory_space<vmem>>)
    %add3A_213 = arith.constant 24 : i32
    %add3A_214 = arith.addi %mul3A_7, %add3A_213 : i32
    %scan3A_215 = arith.constant 0 : i32
    %scan3A_216 = arith.constant 0 : i32
    %scan3A_217 = arith.constant 16 : i32
    %scan3A_218 = arith.addi %scan3A_216, %scan3A_217 : i32
    %scan3A_219 = arith.constant 1 : i32
    %scan3A_220 = scf.for %scan3A_261 = %scan3A_216 to %scan3A_218 step %scan3A_219 iter_args(%scan3A_262 = %scan3A_215) -> (i32)  : i32 {
      %dma_wait3A_263 = arith.constant 0 : i32
      %dma_wait3A_264 = arith.constant 0 : i32
      %dma_wait3A_265 = arith.constant 0 : i32
      %dma_wait3A_266 = arith.constant 0 : i32
      %dma_wait3A_267 = tpu.memref_slice %arg7[%dma_wait3A_263, %dma_wait3A_265, %dma_wait3A_266] : memref<2x8x1025xf32, #tpu.memory_space<vmem>> -> memref<1x8x1025xf32, #tpu.memory_space<vmem>>
      %dma_wait3A_268 = tpu.memref_squeeze %dma_wait3A_267 : memref<1x8x1025xf32, #tpu.memory_space<vmem>> -> memref<8x1025xf32, #tpu.memory_space<vmem>>
      %dma_wait3A_269 = arith.constant 0 : i32
      %dma_wait3A_270 = arith.constant 0 : i32
      %dma_wait3A_271 = tpu.memref_slice %arg4[%dma_wait3A_264, %dma_wait3A_269, %dma_wait3A_270] : memref<16x1025x1025xf32, #tpu.memory_space<hbm>> -> memref<1x8x1025xf32, #tpu.memory_space<hbm>>
      %dma_wait3A_272 = tpu.memref_squeeze %dma_wait3A_271 : memref<1x8x1025xf32, #tpu.memory_space<hbm>> -> memref<8x1025xf32, #tpu.memory_space<hbm>>
      %dma_wait3A_273 = arith.constant 0 : i32
      %dma_wait3A_274 = arith.constant 0 : i32
      %dma_wait3A_275 = tpu.memref_slice %arg4[%dma_wait3A_264, %dma_wait3A_273, %dma_wait3A_274] : memref<16x1025x1025xf32, #tpu.memory_space<hbm>> -> memref<1x8x1025xf32, #tpu.memory_space<hbm>>
      %dma_wait3A_276 = tpu.memref_squeeze %dma_wait3A_275 : memref<1x8x1025xf32, #tpu.memory_space<hbm>> -> memref<8x1025xf32, #tpu.memory_space<hbm>>
      %dma_wait3A_277 = arith.constant 0 : i32
      %dma_wait3A_278 = arith.constant 0 : i32
      %dma_wait3A_279 = tpu.memref_slice %arg7[%dma_wait3A_263, %dma_wait3A_277, %dma_wait3A_278] : memref<2x8x1025xf32, #tpu.memory_space<vmem>> -> memref<1x8x1025xf32, #tpu.memory_space<vmem>>
      %dma_wait3A_280 = tpu.memref_squeeze %dma_wait3A_279 : memref<1x8x1025xf32, #tpu.memory_space<vmem>> -> memref<8x1025xf32, #tpu.memory_space<vmem>>
      tpu.wait_dma2 semaphore(%arg11 : memref<!tpu.dma_semaphore, #tpu.memory_space<semaphore_mem>>) src(%dma_wait3A_280 : memref<8x1025xf32, #tpu.memory_space<vmem>>) dst(%dma_wait3A_276 : memref<8x1025xf32, #tpu.memory_space<hbm>>)
      %and3A = arith.constant 1 : i32
      %and3A_281 = arith.andi %scan3A_261, %and3A : i32
      %mul3A_282 = arith.constant 3972 : i32
      %mul3A_283 = arith.muli %scan3A_261, %mul3A_282 : i32
      %parallel_loop3A_284 = arith.constant 0 : i32
      %parallel_loop3A_285 = arith.constant 512 : i32
      %parallel_loop3A_286 = arith.constant 1 : i32
      scf.for %parallel_loop3A_317 = %parallel_loop3A_284 to %parallel_loop3A_285 step %parallel_loop3A_286  : i32 {
        %parallel_loop3A_318 = arith.constant 6 : i32
        %parallel_loop3A_319 = arith.shrsi %parallel_loop3A_317, %parallel_loop3A_318 : i32
        %parallel_loop3A_320 = arith.constant 63 : i32
        %parallel_loop3A_321 = arith.andi %parallel_loop3A_317, %parallel_loop3A_320 : i32
        %parallel_loop3A_322 = arith.constant 16 : i32
        %parallel_loop3A_323 = arith.muli %parallel_loop3A_321, %parallel_loop3A_322 : i32
        %parallel_loop3A_324 = tpu.assume_multiple %parallel_loop3A_323, 16 : i32
        %parallel_loop3A_325 = arith.constant 1 : i32
        %parallel_loop3A_326 = arith.index_cast %parallel_loop3A_325 : i32 to index
        %parallel_loop3A_327 = arith.index_cast %parallel_loop3A_319 : i32 to index
        %parallel_loop3A_328 = arith.index_cast %parallel_loop3A_324 : i32 to index
        %parallel_loop3A_329 = tpu.vector_load %arg6[%parallel_loop3A_326, %parallel_loop3A_327, %parallel_loop3A_328] {strides = array<i32>} : memref<2x8x1025xi32, #tpu.memory_space<vmem>>, vector<16xi32>,
        %parallel_loop3A_330 = vector.broadcast %mul3A_283 : i32 to vector<16xi32>
        %parallel_loop3A_331 = arith.addi %parallel_loop3A_329, %parallel_loop3A_330 : vector<16xi32>
        %parallel_loop3A_332 = tpu.vector_load_idx %arg5[%parallel_loop3A_331] : memref<63552xf32, #tpu.memory_space<vmem>>[vector<16xi32>], vector<16xf32>,
        %parallel_loop3A_333 = arith.index_cast %and3A_281 : i32 to index
        %parallel_loop3A_334 = arith.index_cast %parallel_loop3A_319 : i32 to index
        %parallel_loop3A_335 = arith.index_cast %parallel_loop3A_324 : i32 to index
        %parallel_loop3A_336 = tpu.vector_load %arg7[%parallel_loop3A_333, %parallel_loop3A_334, %parallel_loop3A_335] {strides = array<i32>} : memref<2x8x1025xf32, #tpu.memory_space<vmem>>, vector<16xf32>,
        tpu.vector_store %arg7[%parallel_loop3A_333, %parallel_loop3A_334, %parallel_loop3A_335], %parallel_loop3A_332 {strides = array<i32>} : memref<2x8x1025xf32, #tpu.memory_space<vmem>>, vector<16xf32>,
      } {sc.loop_unroll_factor = 8 : i64, sc.parallel_access}
      %gather3A_287 = arith.constant 1 : i32
      %gather3A_288 = arith.constant 0 : i32
      %gather3A_289 = arith.constant 0 : i32
      %gather3A_290 = tpu.memref_slice %arg6[%gather3A_287, %gather3A_288, %gather3A_289] : memref<2x8x1025xi32, #tpu.memory_space<vmem>> -> memref<1x8x1025xi32, #tpu.memory_space<vmem>>
      %gather3A_291 = tpu.memref_squeeze %gather3A_290 : memref<1x8x1025xi32, #tpu.memory_space<vmem>> -> memref<8x1025xi32, #tpu.memory_space<vmem>>
      %gather3A_292 = tpu.vector_load_idx %gather3A_291[%iota3A, %broadcast_in_dim3A_1] masked %lt3A_5 : memref<8x1025xi32, #tpu.memory_space<vmem>>[vector<16xi32>, vector<16xi32>], vector<16xi32>, vector<16xi1>
      %add3A_293 = vector.broadcast %mul3A_283 : i32 to vector<16xi32>
      %add3A_294 = arith.addi %gather3A_292, %add3A_293 : vector<16xi32>
      %gather3A_295 = tpu.vector_load_idx %arg5[%add3A_294] masked %lt3A_5 : memref<63552xf32, #tpu.memory_space<vmem>>[vector<16xi32>], vector<16xf32>, vector<16xi1>
      %scatter3A_296 = arith.constant 0 : i32
      %scatter3A_297 = arith.constant 0 : i32
      %scatter3A_298 = tpu.memref_slice %arg7[%and3A_281, %scatter3A_296, %scatter3A_297] : memref<2x8x1025xf32, #tpu.memory_space<vmem>> -> memref<1x8x1025xf32, #tpu.memory_space<vmem>>
      %scatter3A_299 = tpu.memref_squeeze %scatter3A_298 : memref<1x8x1025xf32, #tpu.memory_space<vmem>> -> memref<8x1025xf32, #tpu.memory_space<vmem>>
      tpu.vector_store_idx %scatter3A_299[%iota3A, %broadcast_in_dim3A_1], %gather3A_295 masked %lt3A_5 : memref<8x1025xf32, #tpu.memory_space<vmem>>[vector<16xi32>, vector<16xi32>], vector<16xf32>, vector<16xi1>
      %and3A_300 = arith.constant 1 : i32
      %and3A_301 = arith.andi %scan3A_261, %and3A_300 : i32
      %dma_start3A_302 = arith.constant 0 : i32
      %dma_start3A_303 = arith.constant 0 : i32
      %dma_start3A_304 = tpu.memref_slice %arg7[%and3A_301, %dma_start3A_302, %dma_start3A_303] : memref<2x8x1025xf32, #tpu.memory_space<vmem>> -> memref<1x8x1025xf32, #tpu.memory_space<vmem>>
      %dma_start3A_305 = tpu.memref_squeeze %dma_start3A_304 : memref<1x8x1025xf32, #tpu.memory_space<vmem>> -> memref<8x1025xf32, #tpu.memory_space<vmem>>
      %dma_start3A_306 = arith.constant 0 : i32
      %dma_start3A_307 = tpu.memref_slice %arg4[%scan3A_261, %add3A_214, %dma_start3A_306] : memref<16x1025x1025xf32, #tpu.memory_space<hbm>> -> memref<1x8x1025xf32, #tpu.memory_space<hbm>>
      %dma_start3A_308 = tpu.memref_squeeze %dma_start3A_307 : memref<1x8x1025xf32, #tpu.memory_space<hbm>> -> memref<8x1025xf32, #tpu.memory_space<hbm>>
      %dma_start3A_309 = arith.constant 0 : i32
      %dma_start3A_310 = tpu.memref_slice %arg4[%scan3A_261, %add3A_214, %dma_start3A_309] : memref<16x1025x1025xf32, #tpu.memory_space<hbm>> -> memref<1x8x1025xf32, #tpu.memory_space<hbm>>
      %dma_start3A_311 = tpu.memref_squeeze %dma_start3A_310 : memref<1x8x1025xf32, #tpu.memory_space<hbm>> -> memref<8x1025xf32, #tpu.memory_space<hbm>>
      %dma_start3A_312 = arith.constant 0 : i32
      %dma_start3A_313 = arith.constant 0 : i32
      %dma_start3A_314 = tpu.memref_slice %arg7[%and3A_301, %dma_start3A_312, %dma_start3A_313] : memref<2x8x1025xf32, #tpu.memory_space<vmem>> -> memref<1x8x1025xf32, #tpu.memory_space<vmem>>
      %dma_start3A_315 = tpu.memref_squeeze %dma_start3A_314 : memref<1x8x1025xf32, #tpu.memory_space<vmem>> -> memref<8x1025xf32, #tpu.memory_space<vmem>>
      tpu.enqueue_dma source(%dma_start3A_315 : memref<8x1025xf32, #tpu.memory_space<vmem>>) target(%dma_start3A_311 : memref<8x1025xf32, #tpu.memory_space<hbm>>) target_semaphore(%arg11 : memref<!tpu.dma_semaphore, #tpu.memory_space<semaphore_mem>>)
      %scan3A_316 = arith.constant 0 : i32
      scf.yield %scan3A_316 : i32
    }
    %scan3A_221 = arith.constant 16 : i32
    %dma_wait3A_222 = arith.constant 0 : i32
    %dma_wait3A_223 = arith.constant 0 : i32
    %dma_wait3A_224 = arith.constant 0 : i32
    %dma_wait3A_225 = arith.constant 0 : i32
    %dma_wait3A_226 = tpu.memref_slice %arg7[%dma_wait3A_222, %dma_wait3A_224, %dma_wait3A_225] : memref<2x8x1025xf32, #tpu.memory_space<vmem>> -> memref<1x8x1025xf32, #tpu.memory_space<vmem>>
    %dma_wait3A_227 = tpu.memref_squeeze %dma_wait3A_226 : memref<1x8x1025xf32, #tpu.memory_space<vmem>> -> memref<8x1025xf32, #tpu.memory_space<vmem>>
    %dma_wait3A_228 = arith.constant 0 : i32
    %dma_wait3A_229 = arith.constant 0 : i32
    %dma_wait3A_230 = tpu.memref_slice %arg4[%dma_wait3A_223, %dma_wait3A_228, %dma_wait3A_229] : memref<16x1025x1025xf32, #tpu.memory_space<hbm>> -> memref<1x8x1025xf32, #tpu.memory_space<hbm>>
    %dma_wait3A_231 = tpu.memref_squeeze %dma_wait3A_230 : memref<1x8x1025xf32, #tpu.memory_space<hbm>> -> memref<8x1025xf32, #tpu.memory_space<hbm>>
    %dma_wait3A_232 = arith.constant 0 : i32
    %dma_wait3A_233 = arith.constant 0 : i32
    %dma_wait3A_234 = tpu.memref_slice %arg4[%dma_wait3A_223, %dma_wait3A_232, %dma_wait3A_233] : memref<16x1025x1025xf32, #tpu.memory_space<hbm>> -> memref<1x8x1025xf32, #tpu.memory_space<hbm>>
    %dma_wait3A_235 = tpu.memref_squeeze %dma_wait3A_234 : memref<1x8x1025xf32, #tpu.memory_space<hbm>> -> memref<8x1025xf32, #tpu.memory_space<hbm>>
    %dma_wait3A_236 = arith.constant 0 : i32
    %dma_wait3A_237 = arith.constant 0 : i32
    %dma_wait3A_238 = tpu.memref_slice %arg7[%dma_wait3A_222, %dma_wait3A_236, %dma_wait3A_237] : memref<2x8x1025xf32, #tpu.memory_space<vmem>> -> memref<1x8x1025xf32, #tpu.memory_space<vmem>>
    %dma_wait3A_239 = tpu.memref_squeeze %dma_wait3A_238 : memref<1x8x1025xf32, #tpu.memory_space<vmem>> -> memref<8x1025xf32, #tpu.memory_space<vmem>>
    tpu.wait_dma2 semaphore(%arg11 : memref<!tpu.dma_semaphore, #tpu.memory_space<semaphore_mem>>) src(%dma_wait3A_239 : memref<8x1025xf32, #tpu.memory_space<vmem>>) dst(%dma_wait3A_235 : memref<8x1025xf32, #tpu.memory_space<hbm>>)
    %dma_wait3A_240 = arith.constant 0 : i32
    %dma_wait3A_241 = arith.constant 0 : i32
    %dma_wait3A_242 = arith.constant 0 : i32
    %dma_wait3A_243 = arith.constant 0 : i32
    %dma_wait3A_244 = tpu.memref_slice %arg7[%dma_wait3A_240, %dma_wait3A_242, %dma_wait3A_243] : memref<2x8x1025xf32, #tpu.memory_space<vmem>> -> memref<1x8x1025xf32, #tpu.memory_space<vmem>>
    %dma_wait3A_245 = tpu.memref_squeeze %dma_wait3A_244 : memref<1x8x1025xf32, #tpu.memory_space<vmem>> -> memref<8x1025xf32, #tpu.memory_space<vmem>>
    %dma_wait3A_246 = arith.constant 0 : i32
    %dma_wait3A_247 = arith.constant 0 : i32
    %dma_wait3A_248 = tpu.memref_slice %arg4[%dma_wait3A_241, %dma_wait3A_246, %dma_wait3A_247] : memref<16x1025x1025xf32, #tpu.memory_space<hbm>> -> memref<1x8x1025xf32, #tpu.memory_space<hbm>>
    %dma_wait3A_249 = tpu.memref_squeeze %dma_wait3A_248 : memref<1x8x1025xf32, #tpu.memory_space<hbm>> -> memref<8x1025xf32, #tpu.memory_space<hbm>>
    %dma_wait3A_250 = arith.constant 0 : i32
    %dma_wait3A_251 = arith.constant 0 : i32
    %dma_wait3A_252 = tpu.memref_slice %arg4[%dma_wait3A_241, %dma_wait3A_250, %dma_wait3A_251] : memref<16x1025x1025xf32, #tpu.memory_space<hbm>> -> memref<1x8x1025xf32, #tpu.memory_space<hbm>>
    %dma_wait3A_253 = tpu.memref_squeeze %dma_wait3A_252 : memref<1x8x1025xf32, #tpu.memory_space<hbm>> -> memref<8x1025xf32, #tpu.memory_space<hbm>>
    %dma_wait3A_254 = arith.constant 0 : i32
    %dma_wait3A_255 = arith.constant 0 : i32
    %dma_wait3A_256 = tpu.memref_slice %arg7[%dma_wait3A_240, %dma_wait3A_254, %dma_wait3A_255] : memref<2x8x1025xf32, #tpu.memory_space<vmem>> -> memref<1x8x1025xf32, #tpu.memory_space<vmem>>
    %dma_wait3A_257 = tpu.memref_squeeze %dma_wait3A_256 : memref<1x8x1025xf32, #tpu.memory_space<vmem>> -> memref<8x1025xf32, #tpu.memory_space<vmem>>
    tpu.wait_dma2 semaphore(%arg11 : memref<!tpu.dma_semaphore, #tpu.memory_space<semaphore_mem>>) src(%dma_wait3A_257 : memref<8x1025xf32, #tpu.memory_space<vmem>>) dst(%dma_wait3A_253 : memref<8x1025xf32, #tpu.memory_space<hbm>>)
    %eq3A_258 = arith.constant 31 : i32
    %eq3A_259 = arith.cmpi eq, %add3A, %eq3A_258 : i32
    %convert_element_type3A = arith.extui %eq3A_259 : i1 to i32
    %cond3A = arith.constant 0 : i32
    %cond3A_260 = arith.cmpi ne, %convert_element_type3A, %cond3A : i32
    scf.if %cond3A_260 {
      "tpu.region"() ({
        %run_scoped3A = tpu.sem_alloc : memref<!tpu.dma_semaphore, #tpu.memory_space<semaphore_mem>>
        %dma_start3A_370 = arith.constant 1024 : i32
        %dma_start3A_371 = arith.constant 0 : i32
        %dma_start3A_372 = tpu.memref_slice %arg3[%dma_start3A_370, %dma_start3A_371] : memref<1025x1025xi32, #tpu.memory_space<hbm>> -> memref<1x1025xi32, #tpu.memory_space<hbm>>
        %dma_start3A_373 = arith.constant 1024 : i32
        %dma_start3A_374 = arith.constant 0 : i32
        %dma_start3A_375 = tpu.memref_slice %arg3[%dma_start3A_373, %dma_start3A_374] : memref<1025x1025xi32, #tpu.memory_space<hbm>> -> memref<1x1025xi32, #tpu.memory_space<hbm>>
        tpu.enqueue_dma source(%dma_start3A_375 : memref<1x1025xi32, #tpu.memory_space<hbm>>) target(%arg8 : memref<1x1025xi32, #tpu.memory_space<vmem>>) target_semaphore(%run_scoped3A : memref<!tpu.dma_semaphore, #tpu.memory_space<semaphore_mem>>)
        %dma_wait3A_376 = arith.constant 1024 : i32
        %dma_wait3A_377 = arith.constant 0 : i32
        %dma_wait3A_378 = tpu.memref_slice %arg3[%dma_wait3A_376, %dma_wait3A_377] : memref<1025x1025xi32, #tpu.memory_space<hbm>> -> memref<1x1025xi32, #tpu.memory_space<hbm>>
        %dma_wait3A_379 = arith.constant 1024 : i32
        %dma_wait3A_380 = arith.constant 0 : i32
        %dma_wait3A_381 = tpu.memref_slice %arg3[%dma_wait3A_379, %dma_wait3A_380] : memref<1025x1025xi32, #tpu.memory_space<hbm>> -> memref<1x1025xi32, #tpu.memory_space<hbm>>
        tpu.wait_dma2 semaphore(%run_scoped3A : memref<!tpu.dma_semaphore, #tpu.memory_space<semaphore_mem>>) src(%dma_wait3A_381 : memref<1x1025xi32, #tpu.memory_space<hbm>>) dst(%arg8 : memref<1x1025xi32, #tpu.memory_space<vmem>>)
        tpu.yield
      }) : () -> ()
      %parallel_loop3A_261 = arith.constant 0 : i32
      %parallel_loop3A_262 = arith.constant 64 : i32
      %parallel_loop3A_263 = arith.constant 1 : i32
      scf.for %parallel_loop3A_370 = %parallel_loop3A_261 to %parallel_loop3A_262 step %parallel_loop3A_263  : i32 {
        %parallel_loop3A_371 = arith.constant 16 : i32
        %parallel_loop3A_372 = arith.muli %parallel_loop3A_370, %parallel_loop3A_371 : i32
        %parallel_loop3A_373 = tpu.assume_multiple %parallel_loop3A_372, 16 : i32
        %parallel_loop3A_374 = arith.constant 0 : i32
        %parallel_loop3A_375 = arith.index_cast %parallel_loop3A_374 : i32 to index
        %parallel_loop3A_376 = arith.index_cast %parallel_loop3A_373 : i32 to index
        %parallel_loop3A_377 = tpu.vector_load %arg8[%parallel_loop3A_375, %parallel_loop3A_376] {strides = array<i32>} : memref<1x1025xi32, #tpu.memory_space<vmem>>, vector<16xi32>,
        %parallel_loop3A_378 = arith.constant 0 : i32
        %parallel_loop3A_379 = vector.broadcast %parallel_loop3A_378 : i32 to vector<16xi32>
        %parallel_loop3A_380 = arith.addi %parallel_loop3A_377, %parallel_loop3A_379 : vector<16xi32>
        %parallel_loop3A_381 = tpu.vector_load_idx %arg5[%parallel_loop3A_380] : memref<63552xf32, #tpu.memory_space<vmem>>[vector<16xi32>], vector<16xf32>,
        %parallel_loop3A_382 = arith.constant 0 : i32
        %parallel_loop3A_383 = arith.constant 0 : i32
        %parallel_loop3A_384 = arith.index_cast %parallel_loop3A_382 : i32 to index
        %parallel_loop3A_385 = arith.index_cast %parallel_loop3A_383 : i32 to index
        %parallel_loop3A_386 = arith.index_cast %parallel_loop3A_373 : i32 to index
        %parallel_loop3A_387 = tpu.vector_load %arg9[%parallel_loop3A_384, %parallel_loop3A_385, %parallel_loop3A_386] {strides = array<i32>} : memref<2x1x1025xf32, #tpu.memory_space<vmem>>, vector<16xf32>,
        tpu.vector_store %arg9[%parallel_loop3A_384, %parallel_loop3A_385, %parallel_loop3A_386], %parallel_loop3A_381 {strides = array<i32>} : memref<2x1x1025xf32, #tpu.memory_space<vmem>>, vector<16xf32>,
      } {sc.loop_unroll_factor = 8 : i64, sc.parallel_access}
      %broadcast_in_dim3A_264 = arith.constant 0 : i32
      %broadcast_in_dim3A_265 = vector.broadcast %broadcast_in_dim3A_264 : i32 to vector<16xi32>
      %gather3A_266 = tpu.vector_load_idx %arg8[%broadcast_in_dim3A_265, %broadcast_in_dim3A_1] masked %eq3A_3 : memref<1x1025xi32, #tpu.memory_space<vmem>>[vector<16xi32>, vector<16xi32>], vector<16xi32>, vector<16xi1>
      %add3A_267 = arith.constant 0 : i32
      %add3A_268 = vector.broadcast %add3A_267 : i32 to vector<16xi32>
      %add3A_269 = arith.addi %gather3A_266, %add3A_268 : vector<16xi32>
      %gather3A_270 = tpu.vector_load_idx %arg5[%add3A_269] masked %eq3A_3 : memref<63552xf32, #tpu.memory_space<vmem>>[vector<16xi32>], vector<16xf32>, vector<16xi1>
      %scatter3A_271 = arith.constant 0 : i32
      %scatter3A_272 = arith.constant 0 : i32
      %scatter3A_273 = arith.constant 0 : i32
      %scatter3A_274 = tpu.memref_slice %arg9[%scatter3A_271, %scatter3A_272, %scatter3A_273] : memref<2x1x1025xf32, #tpu.memory_space<vmem>> -> memref<1x1x1025xf32, #tpu.memory_space<vmem>>
      %scatter3A_275 = tpu.memref_squeeze %scatter3A_274 : memref<1x1x1025xf32, #tpu.memory_space<vmem>> -> memref<1x1025xf32, #tpu.memory_space<vmem>>
      tpu.vector_store_idx %scatter3A_275[%broadcast_in_dim3A_265, %broadcast_in_dim3A_1], %gather3A_270 masked %eq3A_3 : memref<1x1025xf32, #tpu.memory_space<vmem>>[vector<16xi32>, vector<16xi32>], vector<16xf32>, vector<16xi1>
      %dma_start3A_276 = arith.constant 0 : i32
      %dma_start3A_277 = arith.constant 0 : i32
      %dma_start3A_278 = arith.constant 0 : i32
      %dma_start3A_279 = arith.constant 0 : i32
      %dma_start3A_280 = tpu.memref_slice %arg9[%dma_start3A_276, %dma_start3A_278, %dma_start3A_279] : memref<2x1x1025xf32, #tpu.memory_space<vmem>> -> memref<1x1x1025xf32, #tpu.memory_space<vmem>>
      %dma_start3A_281 = tpu.memref_squeeze %dma_start3A_280 : memref<1x1x1025xf32, #tpu.memory_space<vmem>> -> memref<1x1025xf32, #tpu.memory_space<vmem>>
      %dma_start3A_282 = arith.constant 1024 : i32
      %dma_start3A_283 = arith.constant 0 : i32
      %dma_start3A_284 = tpu.memref_slice %arg4[%dma_start3A_277, %dma_start3A_282, %dma_start3A_283] : memref<16x1025x1025xf32, #tpu.memory_space<hbm>> -> memref<1x1x1025xf32, #tpu.memory_space<hbm>>
      %dma_start3A_285 = tpu.memref_squeeze %dma_start3A_284 : memref<1x1x1025xf32, #tpu.memory_space<hbm>> -> memref<1x1025xf32, #tpu.memory_space<hbm>>
      %dma_start3A_286 = arith.constant 1024 : i32
      %dma_start3A_287 = arith.constant 0 : i32
      %dma_start3A_288 = tpu.memref_slice %arg4[%dma_start3A_277, %dma_start3A_286, %dma_start3A_287] : memref<16x1025x1025xf32, #tpu.memory_space<hbm>> -> memref<1x1x1025xf32, #tpu.memory_space<hbm>>
      %dma_start3A_289 = tpu.memref_squeeze %dma_start3A_288 : memref<1x1x1025xf32, #tpu.memory_space<hbm>> -> memref<1x1025xf32, #tpu.memory_space<hbm>>
      %dma_start3A_290 = arith.constant 0 : i32
      %dma_start3A_291 = arith.constant 0 : i32
      %dma_start3A_292 = tpu.memref_slice %arg9[%dma_start3A_276, %dma_start3A_290, %dma_start3A_291] : memref<2x1x1025xf32, #tpu.memory_space<vmem>> -> memref<1x1x1025xf32, #tpu.memory_space<vmem>>
      %dma_start3A_293 = tpu.memref_squeeze %dma_start3A_292 : memref<1x1x1025xf32, #tpu.memory_space<vmem>> -> memref<1x1025xf32, #tpu.memory_space<vmem>>
      tpu.enqueue_dma source(%dma_start3A_293 : memref<1x1025xf32, #tpu.memory_space<vmem>>) target(%dma_start3A_289 : memref<1x1025xf32, #tpu.memory_space<hbm>>) target_semaphore(%arg11 : memref<!tpu.dma_semaphore, #tpu.memory_space<semaphore_mem>>)
      %parallel_loop3A_294 = arith.constant 0 : i32
      %parallel_loop3A_295 = arith.constant 64 : i32
      %parallel_loop3A_296 = arith.constant 1 : i32
      scf.for %parallel_loop3A_370 = %parallel_loop3A_294 to %parallel_loop3A_295 step %parallel_loop3A_296  : i32 {
        %parallel_loop3A_371 = arith.constant 16 : i32
        %parallel_loop3A_372 = arith.muli %parallel_loop3A_370, %parallel_loop3A_371 : i32
        %parallel_loop3A_373 = tpu.assume_multiple %parallel_loop3A_372, 16 : i32
        %parallel_loop3A_374 = arith.constant 0 : i32
        %parallel_loop3A_375 = arith.index_cast %parallel_loop3A_374 : i32 to index
        %parallel_loop3A_376 = arith.index_cast %parallel_loop3A_373 : i32 to index
        %parallel_loop3A_377 = tpu.vector_load %arg8[%parallel_loop3A_375, %parallel_loop3A_376] {strides = array<i32>} : memref<1x1025xi32, #tpu.memory_space<vmem>>, vector<16xi32>,
        %parallel_loop3A_378 = arith.constant 3972 : i32
        %parallel_loop3A_379 = vector.broadcast %parallel_loop3A_378 : i32 to vector<16xi32>
        %parallel_loop3A_380 = arith.addi %parallel_loop3A_377, %parallel_loop3A_379 : vector<16xi32>
        %parallel_loop3A_381 = tpu.vector_load_idx %arg5[%parallel_loop3A_380] : memref<63552xf32, #tpu.memory_space<vmem>>[vector<16xi32>], vector<16xf32>,
        %parallel_loop3A_382 = arith.constant 1 : i32
        %parallel_loop3A_383 = arith.constant 0 : i32
        %parallel_loop3A_384 = arith.index_cast %parallel_loop3A_382 : i32 to index
        %parallel_loop3A_385 = arith.index_cast %parallel_loop3A_383 : i32 to index
        %parallel_loop3A_386 = arith.index_cast %parallel_loop3A_373 : i32 to index
        %parallel_loop3A_387 = tpu.vector_load %arg9[%parallel_loop3A_384, %parallel_loop3A_385, %parallel_loop3A_386] {strides = array<i32>} : memref<2x1x1025xf32, #tpu.memory_space<vmem>>, vector<16xf32>,
        tpu.vector_store %arg9[%parallel_loop3A_384, %parallel_loop3A_385, %parallel_loop3A_386], %parallel_loop3A_381 {strides = array<i32>} : memref<2x1x1025xf32, #tpu.memory_space<vmem>>, vector<16xf32>,
      } {sc.loop_unroll_factor = 8 : i64, sc.parallel_access}
      %broadcast_in_dim3A_297 = arith.constant 0 : i32
      %broadcast_in_dim3A_298 = vector.broadcast %broadcast_in_dim3A_297 : i32 to vector<16xi32>
      %gather3A_299 = tpu.vector_load_idx %arg8[%broadcast_in_dim3A_298, %broadcast_in_dim3A_1] masked %eq3A_3 : memref<1x1025xi32, #tpu.memory_space<vmem>>[vector<16xi32>, vector<16xi32>], vector<16xi32>, vector<16xi1>
      %add3A_300 = arith.constant 3972 : i32
      %add3A_301 = vector.broadcast %add3A_300 : i32 to vector<16xi32>
      %add3A_302 = arith.addi %gather3A_299, %add3A_301 : vector<16xi32>
      %gather3A_303 = tpu.vector_load_idx %arg5[%add3A_302] masked %eq3A_3 : memref<63552xf32, #tpu.memory_space<vmem>>[vector<16xi32>], vector<16xf32>, vector<16xi1>
      %scatter3A_304 = arith.constant 1 : i32
      %scatter3A_305 = arith.constant 0 : i32
      %scatter3A_306 = arith.constant 0 : i32
      %scatter3A_307 = tpu.memref_slice %arg9[%scatter3A_304, %scatter3A_305, %scatter3A_306] : memref<2x1x1025xf32, #tpu.memory_space<vmem>> -> memref<1x1x1025xf32, #tpu.memory_space<vmem>>
      %scatter3A_308 = tpu.memref_squeeze %scatter3A_307 : memref<1x1x1025xf32, #tpu.memory_space<vmem>> -> memref<1x1025xf32, #tpu.memory_space<vmem>>
      tpu.vector_store_idx %scatter3A_308[%broadcast_in_dim3A_298, %broadcast_in_dim3A_1], %gather3A_303 masked %eq3A_3 : memref<1x1025xf32, #tpu.memory_space<vmem>>[vector<16xi32>, vector<16xi32>], vector<16xf32>, vector<16xi1>
      %dma_start3A_309 = arith.constant 1 : i32
      %dma_start3A_310 = arith.constant 1 : i32
      %dma_start3A_311 = arith.constant 0 : i32
      %dma_start3A_312 = arith.constant 0 : i32
      %dma_start3A_313 = tpu.memref_slice %arg9[%dma_start3A_309, %dma_start3A_311, %dma_start3A_312] : memref<2x1x1025xf32, #tpu.memory_space<vmem>> -> memref<1x1x1025xf32, #tpu.memory_space<vmem>>
      %dma_start3A_314 = tpu.memref_squeeze %dma_start3A_313 : memref<1x1x1025xf32, #tpu.memory_space<vmem>> -> memref<1x1025xf32, #tpu.memory_space<vmem>>
      %dma_start3A_315 = arith.constant 1024 : i32
      %dma_start3A_316 = arith.constant 0 : i32
      %dma_start3A_317 = tpu.memref_slice %arg4[%dma_start3A_310, %dma_start3A_315, %dma_start3A_316] : memref<16x1025x1025xf32, #tpu.memory_space<hbm>> -> memref<1x1x1025xf32, #tpu.memory_space<hbm>>
      %dma_start3A_318 = tpu.memref_squeeze %dma_start3A_317 : memref<1x1x1025xf32, #tpu.memory_space<hbm>> -> memref<1x1025xf32, #tpu.memory_space<hbm>>
      %dma_start3A_319 = arith.constant 1024 : i32
      %dma_start3A_320 = arith.constant 0 : i32
      %dma_start3A_321 = tpu.memref_slice %arg4[%dma_start3A_310, %dma_start3A_319, %dma_start3A_320] : memref<16x1025x1025xf32, #tpu.memory_space<hbm>> -> memref<1x1x1025xf32, #tpu.memory_space<hbm>>
      %dma_start3A_322 = tpu.memref_squeeze %dma_start3A_321 : memref<1x1x1025xf32, #tpu.memory_space<hbm>> -> memref<1x1025xf32, #tpu.memory_space<hbm>>
      %dma_start3A_323 = arith.constant 0 : i32
      %dma_start3A_324 = arith.constant 0 : i32
      %dma_start3A_325 = tpu.memref_slice %arg9[%dma_start3A_309, %dma_start3A_323, %dma_start3A_324] : memref<2x1x1025xf32, #tpu.memory_space<vmem>> -> memref<1x1x1025xf32, #tpu.memory_space<vmem>>
      %dma_start3A_326 = tpu.memref_squeeze %dma_start3A_325 : memref<1x1x1025xf32, #tpu.memory_space<vmem>> -> memref<1x1025xf32, #tpu.memory_space<vmem>>
      tpu.enqueue_dma source(%dma_start3A_326 : memref<1x1025xf32, #tpu.memory_space<vmem>>) target(%dma_start3A_322 : memref<1x1025xf32, #tpu.memory_space<hbm>>) target_semaphore(%arg11 : memref<!tpu.dma_semaphore, #tpu.memory_space<semaphore_mem>>)
      %scan3A_327 = arith.constant 0 : i32
      %scan3A_328 = arith.constant 2 : i32
      %scan3A_329 = arith.constant 14 : i32
      %scan3A_330 = arith.addi %scan3A_328, %scan3A_329 : i32
      %scan3A_331 = arith.constant 1 : i32
      %scan3A_332 = scf.for %scan3A_370 = %scan3A_328 to %scan3A_330 step %scan3A_331 iter_args(%scan3A_371 = %scan3A_327) -> (i32)  : i32 {
        %dma_wait3A_372 = arith.constant 0 : i32
        %dma_wait3A_373 = arith.constant 0 : i32
        %dma_wait3A_374 = arith.constant 0 : i32
        %dma_wait3A_375 = arith.constant 0 : i32
        %dma_wait3A_376 = tpu.memref_slice %arg9[%dma_wait3A_372, %dma_wait3A_374, %dma_wait3A_375] : memref<2x1x1025xf32, #tpu.memory_space<vmem>> -> memref<1x1x1025xf32, #tpu.memory_space<vmem>>
        %dma_wait3A_377 = tpu.memref_squeeze %dma_wait3A_376 : memref<1x1x1025xf32, #tpu.memory_space<vmem>> -> memref<1x1025xf32, #tpu.memory_space<vmem>>
        %dma_wait3A_378 = arith.constant 0 : i32
        %dma_wait3A_379 = arith.constant 0 : i32
        %dma_wait3A_380 = tpu.memref_slice %arg4[%dma_wait3A_373, %dma_wait3A_378, %dma_wait3A_379] : memref<16x1025x1025xf32, #tpu.memory_space<hbm>> -> memref<1x1x1025xf32, #tpu.memory_space<hbm>>
        %dma_wait3A_381 = tpu.memref_squeeze %dma_wait3A_380 : memref<1x1x1025xf32, #tpu.memory_space<hbm>> -> memref<1x1025xf32, #tpu.memory_space<hbm>>
        %dma_wait3A_382 = arith.constant 0 : i32
        %dma_wait3A_383 = arith.constant 0 : i32
        %dma_wait3A_384 = tpu.memref_slice %arg4[%dma_wait3A_373, %dma_wait3A_382, %dma_wait3A_383] : memref<16x1025x1025xf32, #tpu.memory_space<hbm>> -> memref<1x1x1025xf32, #tpu.memory_space<hbm>>
        %dma_wait3A_385 = tpu.memref_squeeze %dma_wait3A_384 : memref<1x1x1025xf32, #tpu.memory_space<hbm>> -> memref<1x1025xf32, #tpu.memory_space<hbm>>
        %dma_wait3A_386 = arith.constant 0 : i32
        %dma_wait3A_387 = arith.constant 0 : i32
        %dma_wait3A_388 = tpu.memref_slice %arg9[%dma_wait3A_372, %dma_wait3A_386, %dma_wait3A_387] : memref<2x1x1025xf32, #tpu.memory_space<vmem>> -> memref<1x1x1025xf32, #tpu.memory_space<vmem>>
        %dma_wait3A_389 = tpu.memref_squeeze %dma_wait3A_388 : memref<1x1x1025xf32, #tpu.memory_space<vmem>> -> memref<1x1025xf32, #tpu.memory_space<vmem>>
        tpu.wait_dma2 semaphore(%arg11 : memref<!tpu.dma_semaphore, #tpu.memory_space<semaphore_mem>>) src(%dma_wait3A_389 : memref<1x1025xf32, #tpu.memory_space<vmem>>) dst(%dma_wait3A_385 : memref<1x1025xf32, #tpu.memory_space<hbm>>)
        %and3A = arith.constant 1 : i32
        %and3A_390 = arith.andi %scan3A_370, %and3A : i32
        %mul3A_391 = arith.constant 3972 : i32
        %mul3A_392 = arith.muli %scan3A_370, %mul3A_391 : i32
        %parallel_loop3A_393 = arith.constant 0 : i32
        %parallel_loop3A_394 = arith.constant 64 : i32
        %parallel_loop3A_395 = arith.constant 1 : i32
        scf.for %parallel_loop3A_423 = %parallel_loop3A_393 to %parallel_loop3A_394 step %parallel_loop3A_395  : i32 {
          %parallel_loop3A_424 = arith.constant 16 : i32
          %parallel_loop3A_425 = arith.muli %parallel_loop3A_423, %parallel_loop3A_424 : i32
          %parallel_loop3A_426 = tpu.assume_multiple %parallel_loop3A_425, 16 : i32
          %parallel_loop3A_427 = arith.constant 0 : i32
          %parallel_loop3A_428 = arith.index_cast %parallel_loop3A_427 : i32 to index
          %parallel_loop3A_429 = arith.index_cast %parallel_loop3A_426 : i32 to index
          %parallel_loop3A_430 = tpu.vector_load %arg8[%parallel_loop3A_428, %parallel_loop3A_429] {strides = array<i32>} : memref<1x1025xi32, #tpu.memory_space<vmem>>, vector<16xi32>,
          %parallel_loop3A_431 = vector.broadcast %mul3A_392 : i32 to vector<16xi32>
          %parallel_loop3A_432 = arith.addi %parallel_loop3A_430, %parallel_loop3A_431 : vector<16xi32>
          %parallel_loop3A_433 = tpu.vector_load_idx %arg5[%parallel_loop3A_432] : memref<63552xf32, #tpu.memory_space<vmem>>[vector<16xi32>], vector<16xf32>,
          %parallel_loop3A_434 = arith.constant 0 : i32
          %parallel_loop3A_435 = arith.index_cast %and3A_390 : i32 to index
          %parallel_loop3A_436 = arith.index_cast %parallel_loop3A_434 : i32 to index
          %parallel_loop3A_437 = arith.index_cast %parallel_loop3A_426 : i32 to index
          %parallel_loop3A_438 = tpu.vector_load %arg9[%parallel_loop3A_435, %parallel_loop3A_436, %parallel_loop3A_437] {strides = array<i32>} : memref<2x1x1025xf32, #tpu.memory_space<vmem>>, vector<16xf32>,
          tpu.vector_store %arg9[%parallel_loop3A_435, %parallel_loop3A_436, %parallel_loop3A_437], %parallel_loop3A_433 {strides = array<i32>} : memref<2x1x1025xf32, #tpu.memory_space<vmem>>, vector<16xf32>,
        } {sc.loop_unroll_factor = 8 : i64, sc.parallel_access}
        %broadcast_in_dim3A_396 = arith.constant 0 : i32
        %broadcast_in_dim3A_397 = vector.broadcast %broadcast_in_dim3A_396 : i32 to vector<16xi32>
        %gather3A_398 = tpu.vector_load_idx %arg8[%broadcast_in_dim3A_397, %broadcast_in_dim3A_1] masked %eq3A_3 : memref<1x1025xi32, #tpu.memory_space<vmem>>[vector<16xi32>, vector<16xi32>], vector<16xi32>, vector<16xi1>
        %add3A_399 = vector.broadcast %mul3A_392 : i32 to vector<16xi32>
        %add3A_400 = arith.addi %gather3A_398, %add3A_399 : vector<16xi32>
        %gather3A_401 = tpu.vector_load_idx %arg5[%add3A_400] masked %eq3A_3 : memref<63552xf32, #tpu.memory_space<vmem>>[vector<16xi32>], vector<16xf32>, vector<16xi1>
        %scatter3A_402 = arith.constant 0 : i32
        %scatter3A_403 = arith.constant 0 : i32
        %scatter3A_404 = tpu.memref_slice %arg9[%and3A_390, %scatter3A_402, %scatter3A_403] : memref<2x1x1025xf32, #tpu.memory_space<vmem>> -> memref<1x1x1025xf32, #tpu.memory_space<vmem>>
        %scatter3A_405 = tpu.memref_squeeze %scatter3A_404 : memref<1x1x1025xf32, #tpu.memory_space<vmem>> -> memref<1x1025xf32, #tpu.memory_space<vmem>>
        tpu.vector_store_idx %scatter3A_405[%broadcast_in_dim3A_397, %broadcast_in_dim3A_1], %gather3A_401 masked %eq3A_3 : memref<1x1025xf32, #tpu.memory_space<vmem>>[vector<16xi32>, vector<16xi32>], vector<16xf32>, vector<16xi1>
        %dma_start3A_406 = arith.constant 0 : i32
        %dma_start3A_407 = arith.constant 0 : i32
        %dma_start3A_408 = tpu.memref_slice %arg9[%and3A_390, %dma_start3A_406, %dma_start3A_407] : memref<2x1x1025xf32, #tpu.memory_space<vmem>> -> memref<1x1x1025xf32, #tpu.memory_space<vmem>>
        %dma_start3A_409 = tpu.memref_squeeze %dma_start3A_408 : memref<1x1x1025xf32, #tpu.memory_space<vmem>> -> memref<1x1025xf32, #tpu.memory_space<vmem>>
        %dma_start3A_410 = arith.constant 1024 : i32
        %dma_start3A_411 = arith.constant 0 : i32
        %dma_start3A_412 = tpu.memref_slice %arg4[%scan3A_370, %dma_start3A_410, %dma_start3A_411] : memref<16x1025x1025xf32, #tpu.memory_space<hbm>> -> memref<1x1x1025xf32, #tpu.memory_space<hbm>>
        %dma_start3A_413 = tpu.memref_squeeze %dma_start3A_412 : memref<1x1x1025xf32, #tpu.memory_space<hbm>> -> memref<1x1025xf32, #tpu.memory_space<hbm>>
        %dma_start3A_414 = arith.constant 1024 : i32
        %dma_start3A_415 = arith.constant 0 : i32
        %dma_start3A_416 = tpu.memref_slice %arg4[%scan3A_370, %dma_start3A_414, %dma_start3A_415] : memref<16x1025x1025xf32, #tpu.memory_space<hbm>> -> memref<1x1x1025xf32, #tpu.memory_space<hbm>>
        %dma_start3A_417 = tpu.memref_squeeze %dma_start3A_416 : memref<1x1x1025xf32, #tpu.memory_space<hbm>> -> memref<1x1025xf32, #tpu.memory_space<hbm>>
        %dma_start3A_418 = arith.constant 0 : i32
        %dma_start3A_419 = arith.constant 0 : i32
        %dma_start3A_420 = tpu.memref_slice %arg9[%and3A_390, %dma_start3A_418, %dma_start3A_419] : memref<2x1x1025xf32, #tpu.memory_space<vmem>> -> memref<1x1x1025xf32, #tpu.memory_space<vmem>>
        %dma_start3A_421 = tpu.memref_squeeze %dma_start3A_420 : memref<1x1x1025xf32, #tpu.memory_space<vmem>> -> memref<1x1025xf32, #tpu.memory_space<vmem>>
        tpu.enqueue_dma source(%dma_start3A_421 : memref<1x1025xf32, #tpu.memory_space<vmem>>) target(%dma_start3A_417 : memref<1x1025xf32, #tpu.memory_space<hbm>>) target_semaphore(%arg11 : memref<!tpu.dma_semaphore, #tpu.memory_space<semaphore_mem>>)
        %scan3A_422 = arith.constant 0 : i32
        scf.yield %scan3A_422 : i32
      }
      %scan3A_333 = arith.constant 14 : i32
      %dma_wait3A_334 = arith.constant 0 : i32
      %dma_wait3A_335 = arith.constant 0 : i32
      %dma_wait3A_336 = arith.constant 0 : i32
      %dma_wait3A_337 = arith.constant 0 : i32
      %dma_wait3A_338 = tpu.memref_slice %arg9[%dma_wait3A_334, %dma_wait3A_336, %dma_wait3A_337] : memref<2x1x1025xf32, #tpu.memory_space<vmem>> -> memref<1x1x1025xf32, #tpu.memory_space<vmem>>
      %dma_wait3A_339 = tpu.memref_squeeze %dma_wait3A_338 : memref<1x1x1025xf32, #tpu.memory_space<vmem>> -> memref<1x1025xf32, #tpu.memory_space<vmem>>
      %dma_wait3A_340 = arith.constant 0 : i32
      %dma_wait3A_341 = arith.constant 0 : i32
      %dma_wait3A_342 = tpu.memref_slice %arg4[%dma_wait3A_335, %dma_wait3A_340, %dma_wait3A_341] : memref<16x1025x1025xf32, #tpu.memory_space<hbm>> -> memref<1x1x1025xf32, #tpu.memory_space<hbm>>
      %dma_wait3A_343 = tpu.memref_squeeze %dma_wait3A_342 : memref<1x1x1025xf32, #tpu.memory_space<hbm>> -> memref<1x1025xf32, #tpu.memory_space<hbm>>
      %dma_wait3A_344 = arith.constant 0 : i32
      %dma_wait3A_345 = arith.constant 0 : i32
      %dma_wait3A_346 = tpu.memref_slice %arg4[%dma_wait3A_335, %dma_wait3A_344, %dma_wait3A_345] : memref<16x1025x1025xf32, #tpu.memory_space<hbm>> -> memref<1x1x1025xf32, #tpu.memory_space<hbm>>
      %dma_wait3A_347 = tpu.memref_squeeze %dma_wait3A_346 : memref<1x1x1025xf32, #tpu.memory_space<hbm>> -> memref<1x1025xf32, #tpu.memory_space<hbm>>
      %dma_wait3A_348 = arith.constant 0 : i32
      %dma_wait3A_349 = arith.constant 0 : i32
      %dma_wait3A_350 = tpu.memref_slice %arg9[%dma_wait3A_334, %dma_wait3A_348, %dma_wait3A_349] : memref<2x1x1025xf32, #tpu.memory_space<vmem>> -> memref<1x1x1025xf32, #tpu.memory_space<vmem>>
      %dma_wait3A_351 = tpu.memref_squeeze %dma_wait3A_350 : memref<1x1x1025xf32, #tpu.memory_space<vmem>> -> memref<1x1025xf32, #tpu.memory_space<vmem>>
      tpu.wait_dma2 semaphore(%arg11 : memref<!tpu.dma_semaphore, #tpu.memory_space<semaphore_mem>>) src(%dma_wait3A_351 : memref<1x1025xf32, #tpu.memory_space<vmem>>) dst(%dma_wait3A_347 : memref<1x1025xf32, #tpu.memory_space<hbm>>)
      %dma_wait3A_352 = arith.constant 0 : i32
      %dma_wait3A_353 = arith.constant 0 : i32
      %dma_wait3A_354 = arith.constant 0 : i32
      %dma_wait3A_355 = arith.constant 0 : i32
      %dma_wait3A_356 = tpu.memref_slice %arg9[%dma_wait3A_352, %dma_wait3A_354, %dma_wait3A_355] : memref<2x1x1025xf32, #tpu.memory_space<vmem>> -> memref<1x1x1025xf32, #tpu.memory_space<vmem>>
      %dma_wait3A_357 = tpu.memref_squeeze %dma_wait3A_356 : memref<1x1x1025xf32, #tpu.memory_space<vmem>> -> memref<1x1025xf32, #tpu.memory_space<vmem>>
      %dma_wait3A_358 = arith.constant 0 : i32
      %dma_wait3A_359 = arith.constant 0 : i32
      %dma_wait3A_360 = tpu.memref_slice %arg4[%dma_wait3A_353, %dma_wait3A_358, %dma_wait3A_359] : memref<16x1025x1025xf32, #tpu.memory_space<hbm>> -> memref<1x1x1025xf32, #tpu.memory_space<hbm>>
      %dma_wait3A_361 = tpu.memref_squeeze %dma_wait3A_360 : memref<1x1x1025xf32, #tpu.memory_space<hbm>> -> memref<1x1025xf32, #tpu.memory_space<hbm>>
      %dma_wait3A_362 = arith.constant 0 : i32
      %dma_wait3A_363 = arith.constant 0 : i32
      %dma_wait3A_364 = tpu.memref_slice %arg4[%dma_wait3A_353, %dma_wait3A_362, %dma_wait3A_363] : memref<16x1025x1025xf32, #tpu.memory_space<hbm>> -> memref<1x1x1025xf32, #tpu.memory_space<hbm>>
      %dma_wait3A_365 = tpu.memref_squeeze %dma_wait3A_364 : memref<1x1x1025xf32, #tpu.memory_space<hbm>> -> memref<1x1025xf32, #tpu.memory_space<hbm>>
      %dma_wait3A_366 = arith.constant 0 : i32
      %dma_wait3A_367 = arith.constant 0 : i32
      %dma_wait3A_368 = tpu.memref_slice %arg9[%dma_wait3A_352, %dma_wait3A_366, %dma_wait3A_367] : memref<2x1x1025xf32, #tpu.memory_space<vmem>> -> memref<1x1x1025xf32, #tpu.memory_space<vmem>>
      %dma_wait3A_369 = tpu.memref_squeeze %dma_wait3A_368 : memref<1x1x1025xf32, #tpu.memory_space<vmem>> -> memref<1x1025xf32, #tpu.memory_space<vmem>>
      tpu.wait_dma2 semaphore(%arg11 : memref<!tpu.dma_semaphore, #tpu.memory_space<semaphore_mem>>) src(%dma_wait3A_369 : memref<1x1025xf32, #tpu.memory_space<vmem>>) dst(%dma_wait3A_365 : memref<1x1025xf32, #tpu.memory_space<hbm>>)
    } else {
    }
    return
  }
}

</mosaic_0001>

<sc_bundles>
// kernel: kernel.3.cloned.1.call-start
scs
__scs_entry_jumppad:
0x0: {  	(pc) =	sbr.rel $0x88, $3  }
0x1: {  	(tag) =	ssettag $0x0;
	lr =	simm.s32 $0x1  }
0x2: {  	[smem:$0x3F9F] =	sst lr;
	_ =	strace $0xD0000000  }
0x3: {  	_ = 	snop  }
0x4: {  	_ = 	snop  }
0x5: {  	_ = 	snop  }
0x6: {  	_ = 	snop  }
0x7: {  	_ = 	snop  }
__scs_overlays_trampoline_lowered:
0x8: {  	[smem:$0x3FAE] =	sst s0  }
0x9: {  	[smem:$0x3FAF] =	sst s1  }
0xa: {  	[smem:$0x3FB0] =	sst s2  }
0xb: {  	[smem:$0x3FB1] =	sst s3  }
0xc: {  	[smem:$0x3FB2] =	sst s4  }
0xd: {  	[smem:$0x3FB3] =	sst s5  }
0xe: {  	[smem:$0x3FB4] =	sst s6  }
0xf: {  	[smem:$0x3FB5] =	sst s7  }
0x10: {  	[smem:$0x3FB6] =	sst s8  }
0x11: {  	[smem:$0x3FB7] =	sst s9;
	s0 =	simm.s32 @!p0 $0x0  }
0x12: {  	s1 =	sld [smem:$0x3F9D];
	s0 =	simm.s32 @p0 $0x1  }
0x13: {  	[smem:$0x3FB8] =	sst s0;
	s0 =	simm.s32 @!p1 $0x0  }
0x14: {  	s2 =	sld [smem:$0x3F9C];
	s0 =	simm.s32 @p1 $0x1  }
0x15: {  	[smem:$0x3FB9] =	sst s0;
	s0 =	simm.s32 @!p2 $0x0  }
0x16: {  	s3 =	sld [smem:$0x3FDB];
	s0 =	simm.s32 @p2 $0x1  }
0x17: {  	s4 =	simm.s32 $0x1BF5;
	[smem:$0x3FBB] =	sst s0  }
0x18: {  	s0 =	sld [smem:$0x3F9E];
	_ =	swait.ge [sflag:s4], $0x0  }
0x19: {  	s7 =	sld [smem:$0x3F9F]  }
0x1a: {  	s8 =	sadd.s32 $0xFFFFE003, lr  }
0x1b: {  	s9 =	sadd.s32 $0xFFFFFEF7, lr;
	s5 =	simm.s32 $0xFFFFFFFF;
	p2 =	slt.u32 s8, $0xFFFFF086  }
0x1c: {  	p1 =	slt.u32 s9, $0xF7A;
	s5 =	simm.s32 @!p2 $0x0  }
0x1d: {  	s5 =	simm.s32 @p1 $0x1;
	p0 =	seq.s32 s7, s2  }
0x1e: {  	s7 =	smul.u32 @!p0 $0xF7A, s2;
	p2 =	seq.s32 @!p0 s5, $0x0  }
0x1f: {  	s9 =	smul.u32 $0xF7A, s1;
	s8 =	simm.s32 @!p0 $0x1BF5;
	p2 =	por !p2, p0  }
0x20: {  	[sflag:s8] =	ssyncset.s32 @!p0 $0xFFFFF086;
	s6 =	sadd.s32 @!p0 s3, s7;
	s7 =	simm.s32 @!p0 $0x108  }
0x21: {  	s3 =	sadd.s32 s3, s9;
	s6 =	sadd.s32 @!p0 $0x88, s6;
	s7 =	simm.s32 @p2 $0x1082  }
0x22: {  	[simem:s7], [sflag:s8] =	dma.local @!p0 [hbm:s6], $0xF7A  }
0x23: {  	s9 =	sor.u32 $0xD0000000, s2;
	s6 =	simm.s32 $0x108;
	_ =	swait.ge @!p0 [sflag:s8], $0x0  }
0x24: {  	s3 =	sadd.s32 $0x88, s3;
	s6 =	simm.s32 @!p1 $0x1082;
	[sflag:s4] =	ssyncset.s32 $0xFFFFF086  }
0x25: {  	[simem:s6], [sflag:s4] =	dma.local [hbm:s3], $0xF7A  }
0x26: {  	[smem:$0x3F9F] =	sst s1;
	(tag) =	ssettag s2;
	_ =	strace s9  }
0x27: {  	s1 =	sld [smem:$0x3FAF]  }
0x28: {  	s2 =	sld [smem:$0x3FB0]  }
0x29: {  	s4 =	sld [smem:$0x3FB2]  }
0x2a: {  	p0 =	seq.s32 s5, $0x0;
	s5 =	sld [smem:$0x3FB3]  }
0x2b: {  	s6 =	sld [smem:$0x3FB4]  }
0x2c: {  	s7 =	sld [smem:$0x3FB5]  }
0x2d: {  	s3 =	simm.s32 $0x108;
	s8 =	sld [smem:$0x3FB6]  }
0x2e: {  	s3 =	simm.s32 @!p0 $0x1082;
	s9 =	sld [smem:$0x3FB7]  }
0x2f: {  	lr =	sadd.s32 s0, s3;
	s0 =	sld [smem:$0x3FAE]  }
0x30: {  	s3 =	sld [smem:$0x3FB1]  }
0x31: {  	[smem:$0x3FBA] =	sst s10  }
0x32: {  	s10 =	sld [smem:$0x3FB8];
	_ =	sdelay $0x3  }
0x33: {  	p0 =	seq.s32 s10, $0x1;
	s10 =	sld [smem:$0x3FBA];
	_ =	sdelay $0x3  }
0x34: {  	[smem:$0x3FBA] =	sst s10  }
0x35: {  	s10 =	sld [smem:$0x3FB9];
	_ =	sdelay $0x3  }
0x36: {  	p1 =	seq.s32 s10, $0x1;
	s10 =	sld [smem:$0x3FBA];
	_ =	sdelay $0x3  }
0x37: {  	[smem:$0x3FBA] =	sst s10  }
0x38: {  	s10 =	sld [smem:$0x3FBB]  }
0x39: {  	_ = 	snop;
	(pc) =	sbr.ind lr, $3  }
0x3a: {  	_ = 	snop  }
0x3b: {  	_ = 	snop  }
0x3c: {  	p2 =	seq.s32 s10, $0x1;
	s10 =	sld [smem:$0x3FBA]  }
0x3d: {  	_ =	shalt  }
0x3e: {  	_ =	shalt  }
0x3f: {  	_ =	shalt  }
0x40: {  	_ =	shalt  }
0x41: {  	_ =	shalt  }
0x42: {  	_ =	shalt  }
0x43: {  	_ =	shalt  }
0x44: {  	_ =	shalt  }
0x45: {  	_ =	shalt  }
0x46: {  	_ =	shalt  }
0x47: {  	_ =	shalt  }
0x48: {  	_ =	shalt  }
0x49: {  	_ =	shalt  }
0x4a: {  	_ =	shalt  }
0x4b: {  	_ =	shalt  }
0x4c: {  	_ =	shalt  }
0x4d: {  	_ =	shalt  }
0x4e: {  	_ =	shalt  }
0x4f: {  	_ =	shalt  }
0x50: {  	_ =	shalt  }
0x51: {  	_ =	shalt  }
0x52: {  	_ =	shalt  }
0x53: {  	_ =	shalt  }
0x54: {  	_ =	shalt  }
0x55: {  	_ =	shalt  }
0x56: {  	_ =	shalt  }
0x57: {  	_ =	shalt  }
0x58: {  	_ =	shalt  }
0x59: {  	_ =	shalt  }
0x5a: {  	_ =	shalt  }
0x5b: {  	_ =	shalt  }
0x5c: {  	_ =	shalt  }
0x5d: {  	_ =	shalt  }
0x5e: {  	_ =	shalt  }
0x5f: {  	_ =	shalt  }
0x60: {  	_ =	shalt  }
0x61: {  	_ =	shalt  }
0x62: {  	_ =	shalt  }
0x63: {  	_ =	shalt  }
0x64: {  	_ =	shalt  }
0x65: {  	_ =	shalt  }
0x66: {  	_ =	shalt  }
0x67: {  	_ =	shalt  }
0x68: {  	_ =	shalt  }
0x69: {  	_ =	shalt  }
0x6a: {  	_ =	shalt  }
0x6b: {  	_ =	shalt  }
0x6c: {  	_ =	shalt  }
0x6d: {  	_ =	shalt  }
0x6e: {  	_ =	shalt  }
0x6f: {  	_ =	shalt  }
0x70: {  	_ =	shalt  }
0x71: {  	_ =	shalt  }
0x72: {  	_ =	shalt  }
0x73: {  	_ =	shalt  }
0x74: {  	_ =	shalt  }
0x75: {  	_ =	shalt  }
0x76: {  	_ =	shalt  }
0x77: {  	_ =	shalt  }
0x78: {  	_ =	shalt  }
0x79: {  	_ =	shalt  }
0x7a: {  	_ =	shalt  }
0x7b: {  	_ =	shalt  }
0x7c: {  	_ =	shalt  }
0x7d: {  	_ =	shalt  }
0x7e: {  	_ =	shalt  }
0x7f: {  	_ =	shalt  }
0x80: {  	_ =	shalt  }
0x81: {  	_ =	shalt  }
0x82: {  	_ =	shalt  }
0x83: {  	_ =	shalt  }
0x84: {  	_ =	shalt  }
0x85: {  	_ =	shalt  }
0x86: {  	_ =	shalt  }
0x87: {  	_ =	shalt  }
.Lfunc_end0:
.L_simem_size_0:
called_computation.1_lowered:
.L_overlay_start_0:
0x88: {  	s2 =	sld [smem:$0x3FD9]  }
0x89: {  	s3 =	sld [smem:$0x3FFE];
	_ =	sdelay $0x1  }
0x8a: {  	s1 =	srdreg.scid  }
0x8b: {  	s0 =	sand.u32 $0x1, s1  }
0x8c: {  	s17 =	sshll.u32 s0, $0xA;
	s2 =	sadd.s32 s3, s2  }
0x8d: {  	s2 =	sadd.s32 s2, s17  }
0x8e: {  	[smem:$0x3FC6] =	sst s2  }
0x8f: {  	_ = 	snop  }
0x90: {  	s2 =	sld [smem:$0x3FC8]  }
0x91: {  	s18 =	sld [smem:$0x3FD0];
	(tm) =	ssettm $0x1  }
0x92: {  	s4 =	sld [smem:$0x3FFB];
	_ =	sdelay $0x3  }
0x93: {  	_ =	strace s4  }
0x94: {  	s4 =	sld [smem:$0x3FFC];
	_ =	sdelay $0x3  }
0x95: {  	_ =	strace s4  }
0x96: {  	s4 =	sld [smem:$0x3FFD];
	_ =	sdelay $0x3  }
0x97: {  	_ =	strace s4  }
0x98: {  	_ =	strace $0x8FFFFFFF  }
0x99: {  	s19 =	sld [smem:$0x3FDB];
	_ =	sdelay $0x1  }
0x9a: {  	s5 =	simm.s32 $_scs_section_size  }
0x9b: {  	s6 =	simm.s32 $_size__tile_overlayer_lowered;
	s7 =	simm.s32 $_tile_overlayer_lowered  }
0x9c: {  	s22 =	simm.s32 $0x1BFF;
	s21 =	sshll.u32 s7, $0x1;
	s4 =	sadd.s32 s5, s19  }
0x9d: {  	s8 =	simm.s32 $0x0;
	s20 =	sshll.u32 s6, $0x1;
	s6 =	sadd.s32 s21, s4  }
0x9e: {  	[timem:s8], [sflag:s22] =	dma.local [hbm:s6], s20  }
0x9f: {  	_ =	swait.ge [sflag:s22], s20  }
0xa0: {  	s5 =	ssub.s32 $0x0, s20;
	[sflag:s22] =	ssyncset.done $0x0  }
0xa1: {  	[sflag:s22] =	ssyncadd.s32 s5;
	_ =	sdelay $0x1  }
0xa2: {  	s23 =	simm.s32 $0x1B8B  }
0xa3: {  	_ =	swait.ge [sflag:s23], $0x1  }
0xa4: {  	[sflag:s23] =	ssyncset.done $0x0  }
0xa5: {  	s25 =	simm.s32 $0x1B8E;
	s24 =	sld [smem:$0x3FFE];
	[sflag:s23] =	ssyncadd.s32 $0xFFFFFFFF  }
0xa6: {  	s26 =	simm.s32 $execute0_lowered;
	[smem:$0x3FD2] =	sst s25  }
0xa7: {  	s6 =	sshll.u32 s26, $0x1;
	_ =	strace $0x80000046;
	[dreg:$0x1] =	wrdreg $0xFFFFFFFF  }
0xa8: {  	s28 =	simm.s32 $_size_execute0_lowered;
	s4 =	sadd.s32 s4, s6;
	[dreg:$0x0] =	wrdreg $0x0  }
0xa9: {  	s6 =	sshll.u32 s28, $0x1;
	[dreg:$0x2] =	wrdreg s4  }
0xaa: {  	[dreg:$0x3] =	wrdreg s6  }
0xab: {  	[dreg:$0x4] =	wrdreg $0xC0  }
0xac: {  	_ =	task [dreg:s8], $0x5FFFF  }
0xad: {  	[dreg:$0x1] =	wrdreg $0xFFFFFFFF  }
0xae: {  	[dreg:$0x0] =	wrdreg $0x60  }
0xaf: {  	[dreg:$0x2] =	wrdreg s18  }
0xb0: {  	[dreg:$0x3] =	wrdreg s2  }
0xb1: {  	[dreg:$0x4] =	wrdreg s24  }
0xb2: {  	[dreg:$0x5] =	wrdreg $0x9  }
0xb3: {  	_ =	task.clear_ibuf [dreg:s8], $0x6FFFF;
	_ =	strace $0x90000046  }
0xb4: {  	s29 =	simm.s32 $0x9;
	_ =	strace $0x80000048  }
0xb5: {  	_ =	swait.ge [sflag:s29], $0x1  }
0xb6: {  	[sflag:s29] =	ssyncadd.s32 $0xFFFFFFFF  }
0xb7: {  	_ =	strace $0x90000048  }
0xb8: {  	_ =	sfence  }
0xb9: {  	s30 =	sld [smem:$0x0];
	_ =	sdelay $0x2  }
0xba: {  	s31 =	sshll.u32 s1, $0xD;
	s1 =	sshrl.u32 s1, $0x2  }
0xbb: {  	s3 =	sand.u32 $0x4000, s31;
	s1 =	sadd.s32 s1, s30  }
0xbc: {  	s0 =	sor.u32 s3, s0;
	s1 =	sshll.u32 s1, $0x11  }
0xbd: {  	s0 =	sor.u32 s1, s0  }
0xbe: {  	s0 =	sadd.s32 $0x8F2B, s0  }
0xbf: {  	[sflag:s0] =	ssyncadd.remote.s32 $0x1  }
0xc0: {  	_ =	sfence.sel $0xFFFF  }
0xc1: {  	[dreg:$0x0] =	wrdreg $0xFFFFFFFF;
	(pc) =	sbr.abs _section_cstart, $3  }
0xc2: {  	[dreg:$0x1] =	wrdreg $0xFFFFFFFF  }
0xc3: {  	_ =	task.clear_ibuf [dreg:s8], $0x2FFFF;
	_ =	strace $0x9FFFFFFF  }
0xc4: {  	(tm) =	ssettm $0x7FFFFFFF  }
0xc5: {  	_ =	shalt  }
tec
execute0_lowered:
.L_overlay_start_1:
0x0: {  	(tag) =	ssettag $0x1  }
0x1: {  	s0 =	rddreg [dreg:$0x1]  }
0x2: {  	s1 =	srdreg.scid;
	s3 =	stileid.u32  }
0x3: {  	v0 =	vimm.s32 $0x4780;
	vm0 =	vcmask $0x300;
	s2 =	rddreg [dreg:$0x2];
	s19 =	simm.s32 $0x3;
	s20 =	simm.s32 $0xF880  }
0x4: {  	vm14 =	vcmask $0x704;
	s21 =	simm.s32 $0x11C80;
	s22 =	simm.s32 $0x1;
	s28 =	simm.s32 $0x400;
	v0 =	vsel vm0, $0x2000, v0  }
0x5: {  	vm15 =	vcmask $0xB08;
	s29 =	simm.s32 $0x18880;
	s1 =	sand.u32 $0x1, s1;
	s4 =	sshll.u32 s3, $0x1;
	v0 =	vsel vm14, $0x2080, v0  }
0x6: {  	vm4 =	vcmask $0xF0C;
	s3 =	simm.s32 $0x0;
	s5 =	sadd.s32 $0x800, s2;
	s30 =	sadd.s32 $0x24800, s2;
	v0 =	vsel vm15, $0x2100, v0  }
0x7: {  	vm5 =	vcmask $0x1310;
	s31 =	sadd.s32 $0x48C80, s2;
	s2 =	simm.s32 $0x0;
	s7 =	sor.u32 s1, s4;
	v0 =	vsel vm4, $0x2180, v0  }
0x8: {  	vm6 =	vcmask $0x1714;
	[smem:$0x7FF] =	sst s3;
	s1 =	ssub.s32 $0x2, s1;
	s4 =	smul.u32 $0x9000, s7;
	v0 =	vsel vm5, $0x2200, v0  }
0x9: {  	vm7 =	vcmask $0x1B18;
	_ =	strace $0x80000047;
	s8 =	sshrl.u32 s1, $0x1;
	[dreg:$0x9] =	wrdreg s30;
	v0 =	vsel vm6, $0x2280, v0  }
0xa: {  	vm8 =	vcmask $0x1F1C;
	[dreg:$0xa] =	wrdreg s31;
	p0 =	sne.s32 s7, $0x1F;
	s1 =	ssub.s32 s1, s8;
	v0 =	vsel vm7, $0x2300, v0  }
0xb: {  	vm9 =	vcmask $0x2320;
	s11 =	sshrl.u32 s4, $0x3;
	s6 =	sadd.s32 $0x2400, s4;
	s9 =	sadd.s32 $0x4800, s4;
	v0 =	vsel vm8, $0x2380, v0  }
0xc: {  	vm10 =	vcmask $0x2724;
	s10 =	sadd.s32 $0x6C00, s4;
	s18 =	smax.u32 s1, $0x1;
	s24 =	sadd.s32 s0, s11;
	v0 =	vsel vm9, $0x4400, v0  }
0xd: {  	vm11 =	vcmask $0x2B28;
	s25 =	sshrl.u32 s6, $0x3;
	s11 =	sadd.s32 s5, s11;
	s26 =	sshrl.u32 s9, $0x3;
	v0 =	vsel vm10, $0x4480, v0  }
.Ltmp0:
0xe: {  	vm12 =	vcmask $0x2F2C;
	[dreg:$0x4] =	wrdreg s24;
	s8 =	sadd.s32 s0, s25;
	v0 =	vsel vm11, $0x4500, v0;
	(pc) =	sbr.rel .LBB2_1-.Ltmp0, $4  }
0xf: {  	vm13 =	vcmask $0x3330;
	s14 =	sshrl.u32 s10, $0x3;
	s12 =	sadd.s32 $0x24480, s11;
	[dreg:$0x5] =	wrdreg s8;
	v0 =	vsel vm12, $0x4580, v0  }
0x10: {  	vm14 =	vcmask $0x3734;
	s14 =	sadd.s32 s0, s14;
	[dreg:$0x6] =	wrdreg s12;
	s8 =	sadd.s32 s0, s26;
	v0 =	vsel vm13, $0x4600, v0  }
0x11: {  	vm15 =	vcmask $0x3B38;
	s24 =	simm.s32 $0x16480;
	s0 =	sadd.s32 $0x24000, s0;
	[dreg:$0x7] =	wrdreg s8;
	v0 =	vsel vm14, $0x4680, v0  }
0x12: {  	v1 =	vimm.s32 $0x400;
	s25 =	simm.s32 $0x2;
	s26 =	simm.s32 $0x80;
	[dreg:$0x8] =	wrdreg s0;
	v0 =	vsel vm15, $0x4700, v0  }
.LBB2_31:
0x13: {  	s2 =	sadd.s32 $0x1, s2  }
0x14: {  	p1 =	sne.s32 s2, s18  }
.Ltmp1:
0x15: {  	_ = 	snop;
	(pc) =	sbr.rel @!p1 .LBB2_32-.Ltmp1, $1  }
0x16: {  	_ =	sdelay $0x3  }
.LBB2_1:
0x17: {  	s0 =	rddreg [dreg:$0x0]  }
0x18: {  	[tilespmem:s3], [sflag:$0x3] =	stream.linear.gather [hbm4b:s0+s3], $0xF880, $0x38;
	[tilespmem:$0x19600] =	vst v63  }
0x19: {  	_ =	swait.ge [sflag:s19], $0xF880  }
0x1a: {  	[sflag:s19] =	ssyncset.done $0x0  }
0x1b: {  	s23 =	rddreg [dreg:$0x4];
	[sflag:s19] =	ssyncadd.s32 $0xFFFF0780  }
0x1c: {  	[tilespmem:s20], [sflag:$0x1] =	stream.linear.gather [hbm4b:s23+s3], $0x2400, $0x38;
	[tilespmem:$0x19600] =	vst v63  }
0x1d: {  	s30 =	rddreg [dreg:$0x5]  }
0x1e: {  	[tilespmem:s21], [sflag:$0x1] =	stream.linear.gather [hbm4b:s30+s3], $0x2400, $0x38;
	[tilespmem:$0x19600] =	vst v63  }
0x1f: {  	s31 =	sand.u32 $0x1C00, s3;
	_ =	swait.ge [sflag:s22], $0x2400  }
0x20: {  	s1 =	sor.u32 s31, s3;
	[sflag:s22] =	ssyncset.done $0x0  }
0x21: {  	s7 =	sand.u32 $0x380, s3;
	s1 =	sor.u32 $0x70, s1;
	[sflag:s22] =	ssyncadd.s32 $0xFFFFDC00  }
0x22: {  	s0 =	sor.u32 s7, s31;
	v3 =	vld [tilespmem:s1+$0xF880]  }
0x23: {  	v4 =	vld [tilespmem:s0+$0xF880]  }
0x24: {  	v6 =	vld [tilespmem:s0+$0xF890]  }
0x25: {  	v10 =	vld [tilespmem:s0+$0xF8A0]  }
0x26: {  	v11 =	vld [tilespmem:s0+$0xF8B0]  }
0x27: {  	v7 =	vld [tilespmem:s0+$0xF8C0]  }
0x28: {  	v5 =	vld [tilespmem:s0+$0xF8D0]  }
0x29: {  	v2 =	vld [tilespmem:s0+$0xF8E0]  }
0x2a: {  	v9 =	vld.idx.msk [tilespmem:v3+s3+$0x0], $0xffff  }
0x2b: {  	v8 =	vld.idx.msk [tilespmem:v4+s3+$0x0], $0xffff  }
0x2c: {  	v6 =	vld.idx.msk [tilespmem:v6+s3+$0x0], $0xffff  }
0x2d: {  	v3 =	vld.idx.msk [tilespmem:v10+s3+$0x0], $0xffff  }
0x2e: {  	s8 =	simm.s32 $0x400;
	s15 =	simm.s32 $0x0;
	s7 =	simm.s32 $0x0;
	v4 =	vld.idx.msk [tilespmem:v11+s3+$0x0], $0xffff  }
.LBB2_2:
0x2f: {  	s16 =	sand.u32 $0x1C00, s8;
	s7 =	sadd.s32 $0x8, s7;
	v7 =	vld.idx.msk [tilespmem:v7+s3+$0x0], $0xffff;
	s15 =	sadd.s32 $0x10, s15  }
0x30: {  	s17 =	sand.u32 $0x380, s15;
	s30 =	sor.u32 s16, s15;
	p1 =	slt.u32 s7, $0x1F8;
	v5 =	vld.idx.msk [tilespmem:v5+s3+$0x0], $0xffff;
	[tilespmem:s1+$0x14080] =	vst v9  }
0x31: {  	s16 =	sor.u32 s17, s16;
	s1 =	sor.u32 $0x70, s30;
	[tilespmem:s0+$0x14080] =	vst v8;
	v2 =	vld.idx.msk [tilespmem:v2+s3+$0x0], $0xffff  }
0x32: {  	v8 =	vld [tilespmem:s1+$0xF880];
	[tilespmem:s0+$0x14090] =	vst v6  }
0x33: {  	v6 =	vld [tilespmem:s16+$0xF880];
	[tilespmem:s0+$0x140A0] =	vst v3  }
0x34: {  	v3 =	vld [tilespmem:s16+$0xF890];
	[tilespmem:s0+$0x140B0] =	vst v4  }
0x35: {  	v4 =	vld [tilespmem:s16+$0xF8A0];
	[tilespmem:s0+$0x140C0] =	vst v7  }
0x36: {  	v10 =	vld [tilespmem:s16+$0xF8B0];
	[tilespmem:s0+$0x140D0] =	vst v5  }
0x37: {  	v7 =	vld [tilespmem:s16+$0xF8C0];
	[tilespmem:s0+$0x140E0] =	vst v2;
	s0 =	smov.u32 s16  }
0x38: {  	v5 =	vld [tilespmem:s0+$0xF8D0]  }
0x39: {  	v2 =	vld [tilespmem:s0+$0xF8E0]  }
.Ltmp2:
0x3a: {  	v9 =	vld.idx.msk [tilespmem:v8+s3+$0x0], $0xffff;
	(pc) =	sbr.rel @p1 .LBB2_2-.Ltmp2, $4  }
0x3b: {  	v8 =	vld.idx.msk [tilespmem:v6+s3+$0x0], $0xffff  }
0x3c: {  	v6 =	vld.idx.msk [tilespmem:v3+s3+$0x0], $0xffff  }
0x3d: {  	v3 =	vld.idx.msk [tilespmem:v4+s3+$0x0], $0xffff  }
0x3e: {  	s8 =	sadd.s32 $0x400, s8;
	v4 =	vld.idx.msk [tilespmem:v10+s3+$0x0], $0xffff  }
0x3f: {  	_ =	sdelay $0x3  }
0x40: {  	v7 =	vld.idx.msk [tilespmem:v7+s3+$0x0], $0xffff;
	[tilespmem:s1+$0x14080] =	vst v9  }
0x41: {  	v5 =	vld.idx.msk [tilespmem:v5+s3+$0x0], $0xffff;
	[tilespmem:s0+$0x14080] =	vst v8  }
0x42: {  	v2 =	vld.idx.msk [tilespmem:v2+s3+$0x0], $0xffff;
	[tilespmem:s0+$0x14090] =	vst v6  }
0x43: {  	[tilespmem:s0+$0x140A0] =	vst v3  }
0x44: {  	[tilespmem:s0+$0x140B0] =	vst v4  }
0x45: {  	[tilespmem:s0+$0x140C0] =	vst v7  }
0x46: {  	[tilespmem:s0+$0x140D0] =	vst v5  }
0x47: {  	[tilespmem:s0+$0x140E0] =	vst v2  }
0x48: {  	v2 =	vld.idx.msk [tilespmem:v0+s20+$0x0], $0xff;
	_ =	sdelay $0x6  }
0x49: {  	s16 =	simm.s32 $0x0  }
0x4a: {  	v2 =	vld.idx.msk [tilespmem:v2+s16+$0x0], $0xff;
	_ =	sdelay $0x3  }
0x4b: {  	s17 =	simm.s32 $0x14080;
	s23 =	sand.u32 $0x1C00, s16;
	s0 =	sand.u32 $0x380, s16  }
0x4c: {  	s7 =	sor.u32 s0, s23;
	[tilespmem:v0+s17+$0x0] =	vst.idx.msk $0xff, v2  }
0x4d: {  	[hbm4b:s11+s16] =	stream.linear.scatter [tilespmem:s17], [sflag:$0x2], $0x2400, $0x38;
	[tilespmem:$0x19600] =	vst v63  }
0x4e: {  	v2 =	vld [tilespmem:s7+$0xF8F0]  }
0x4f: {  	v3 =	vld [tilespmem:s7+$0xF880]  }
0x50: {  	v4 =	vld [tilespmem:s7+$0xF890]  }
0x51: {  	v5 =	vld [tilespmem:s7+$0xF8A0]  }
0x52: {  	v7 =	vld [tilespmem:s7+$0xF8C0]  }
0x53: {  	s30 =	simm.s32 $0x400;
	s31 =	simm.s32 $0x10;
	v6 =	vld [tilespmem:s7+$0xF8B0]  }
0x54: {  	s1 =	sand.u32 $0x380, s31;
	s0 =	sand.u32 $0x1C00, s30;
	v8 =	vld [tilespmem:s7+$0xF8D0]  }
0x55: {  	s0 =	sor.u32 s1, s0;
	v9 =	vld [tilespmem:s7+$0xF8E0]  }
0x56: {  	v11 =	vld [tilespmem:s0+$0xF880]  }
0x57: {  	v12 =	vld [tilespmem:s0+$0xF890];
	v7 =	vadd.s32 $0xF84, v7  }
0x58: {  	v13 =	vld [tilespmem:s0+$0xF8A0]  }
0x59: {  	v14 =	vld [tilespmem:s0+$0xF8B0]  }
0x5a: {  	v15 =	vld [tilespmem:s0+$0xF8C0];
	v2 =	vadd.s32 $0xF84, v2  }
0x5b: {  	v17 =	vld [tilespmem:s0+$0xF8D0];
	v5 =	vadd.s32 $0xF84, v5  }
0x5c: {  	v3 =	vadd.s32 $0xF84, v3;
	v10 =	vld.idx.msk [tilespmem:v7+s3+$0x0], $0xffff  }
0x5d: {  	v4 =	vadd.s32 $0xF84, v4;
	v7 =	vld [tilespmem:s0+$0xF8F0]  }
0x5e: {  	v18 =	vld [tilespmem:s0+$0xF8E0];
	v6 =	vadd.s32 $0xF84, v6  }
0x5f: {  	v8 =	vadd.s32 $0xF84, v8;
	v2 =	vld.idx.msk [tilespmem:v2+s3+$0x0], $0xffff  }
0x60: {  	v11 =	vadd.s32 $0xF84, v11;
	v5 =	vld.idx.msk [tilespmem:v5+s3+$0x0], $0xffff  }
0x61: {  	v9 =	vadd.s32 $0xF84, v9;
	v3 =	vld.idx.msk [tilespmem:v3+s3+$0x0], $0xffff  }
0x62: {  	v4 =	vld.idx.msk [tilespmem:v4+s3+$0x0], $0xffff;
	v16 =	vadd.s32 $0xF84, v7  }
0x63: {  	s1 =	sadd.s32 $0x14080, s7;
	v12 =	vadd.s32 $0xF84, v12;
	v6 =	vld.idx.msk [tilespmem:v6+s3+$0x0], $0xffff  }
0x64: {  	v13 =	vadd.s32 $0xF84, v13;
	v8 =	vld.idx.msk [tilespmem:v8+s3+$0x0], $0xffff;
	[tilespmem:s1+$0x2470] =	vst v2  }
0x65: {  	[tilespmem:s1+$0x2420] =	vst v5;
	v5 =	vld.idx.msk [tilespmem:v11+s3+$0x0], $0xffff;
	v11 =	vadd.s32 $0xF84, v14  }
0x66: {  	v7 =	vld.idx.msk [tilespmem:v9+s3+$0x0], $0xffff;
	[tilespmem:s1+$0x2440] =	vst v10;
	v10 =	vadd.s32 $0xF84, v15  }
0x67: {  	[tilespmem:s1+$0x2410] =	vst v4;
	v4 =	vld.idx.msk [tilespmem:v16+s3+$0x0], $0xffff  }
0x68: {  	[tilespmem:s1+$0x2430] =	vst v6;
	v6 =	vld.idx.msk [tilespmem:v12+s3+$0x0], $0xffff  }
0x69: {  	s8 =	simm.s32 $0x800;
	s15 =	simm.s32 $0x20;
	[tilespmem:s7+$0x16480] =	vst v3;
	s7 =	simm.s32 $0x8;
	v3 =	vadd.s32 $0xF84, v17;
	v2 =	vadd.s32 $0xF84, v18;
	v9 =	vld.idx.msk [tilespmem:v13+s3+$0x0], $0xffff  }
.LBB2_4:
0x6a: {  	s16 =	sand.u32 $0x1C00, s8;
	s17 =	sand.u32 $0x380, s15;
	s7 =	sadd.s32 $0x8, s7;
	v11 =	vld.idx.msk [tilespmem:v11+s3+$0x0], $0xffff;
	[tilespmem:s1+$0x2450] =	vst v8  }
0x6b: {  	s16 =	sor.u32 s17, s16;
	p1 =	slt.u32 s7, $0x1F8;
	v8 =	vld.idx.msk [tilespmem:v10+s3+$0x0], $0xffff;
	[tilespmem:s1+$0x2460] =	vst v7;
	s1 =	sadd.s32 $0x14080, s0  }
0x6c: {  	v7 =	vld [tilespmem:s16+$0xF8F0];
	[tilespmem:s1+$0x2470] =	vst v4  }
0x6d: {  	v4 =	vld [tilespmem:s16+$0xF880];
	[tilespmem:s0+$0x16480] =	vst v5;
	s0 =	smov.u32 s16  }
0x6e: {  	v5 =	vld [tilespmem:s0+$0xF890];
	[tilespmem:s1+$0x2410] =	vst v6  }
0x6f: {  	v6 =	vld [tilespmem:s0+$0xF8A0];
	[tilespmem:s1+$0x2420] =	vst v9  }
0x70: {  	v9 =	vld [tilespmem:s0+$0xF8B0];
	[tilespmem:s1+$0x2430] =	vst v11  }
0x71: {  	v10 =	vld [tilespmem:s0+$0xF8C0];
	v12 =	vadd.s32 $0xF84, v7;
	[tilespmem:s1+$0x2440] =	vst v8  }
0x72: {  	v13 =	vadd.s32 $0xF84, v4;
	v14 =	vld [tilespmem:s0+$0xF8D0]  }
0x73: {  	v15 =	vadd.s32 $0xF84, v5;
	v16 =	vld [tilespmem:s0+$0xF8E0]  }
0x74: {  	v17 =	vadd.s32 $0xF84, v6;
	v8 =	vld.idx.msk [tilespmem:v3+s3+$0x0], $0xffff  }
.Ltmp3:
0x75: {  	v11 =	vadd.s32 $0xF84, v9;
	v7 =	vld.idx.msk [tilespmem:v2+s3+$0x0], $0xffff;
	(pc) =	sbr.rel @p1 .LBB2_4-.Ltmp3, $4  }
0x76: {  	v10 =	vadd.s32 $0xF84, v10;
	v4 =	vld.idx.msk [tilespmem:v12+s3+$0x0], $0xffff  }
0x77: {  	v5 =	vld.idx.msk [tilespmem:v13+s3+$0x0], $0xffff;
	v3 =	vadd.s32 $0xF84, v14  }
0x78: {  	v6 =	vld.idx.msk [tilespmem:v15+s3+$0x0], $0xffff;
	v2 =	vadd.s32 $0xF84, v16  }
0x79: {  	s8 =	sadd.s32 $0x400, s8;
	s15 =	sadd.s32 $0x10, s15;
	v9 =	vld.idx.msk [tilespmem:v17+s3+$0x0], $0xffff  }
0x7a: {  	_ =	sdelay $0x2  }
0x7b: {  	[tilespmem:s1+$0x2450] =	vst v8  }
0x7c: {  	v62 =	vld.idx.msk [tilespmem:v11+s3+$0x0], $0xffff;
	s7 =	sadd.s32 $0x14080, s0;
	[tilespmem:s1+$0x2460] =	vst v7  }
0x7d: {  	v63 =	vld.idx.msk [tilespmem:v10+s3+$0x0], $0xffff;
	[tilespmem:s7+$0x2470] =	vst v4  }
0x7e: {  	v3 =	vld.idx.msk [tilespmem:v3+s3+$0x0], $0xffff;
	[tilespmem:s0+$0x16480] =	vst v5  }
0x7f: {  	v2 =	vld.idx.msk [tilespmem:v2+s3+$0x0], $0xffff;
	[tilespmem:s7+$0x2410] =	vst v6  }
0x80: {  	[tilespmem:s7+$0x2420] =	vst v9  }
0x81: {  	[tilespmem:s7+$0x2430] =	vst v62  }
0x82: {  	[tilespmem:s7+$0x2440] =	vst v63  }
0x83: {  	[tilespmem:s7+$0x2450] =	vst v3  }
0x84: {  	[tilespmem:s7+$0x2460] =	vst v2  }
0x85: {  	v2 =	vld.idx.msk [tilespmem:v0+s20+$0x0], $0xff;
	_ =	sdelay $0x4  }
0x86: {  	v2 =	vadd.s32 $0xF84, v2;
	_ =	sdelay $0x4  }
0x87: {  	v2 =	vld.idx.msk [tilespmem:v2+s3+$0x0], $0xff;
	_ =	sdelay $0x4  }
0x88: {  	s0 =	rddreg [dreg:$0x6];
	[tilespmem:v0+s24+$0x0] =	vst.idx.msk $0xff, v2  }
0x89: {  	[hbm4b:s0+s3] =	stream.linear.scatter [tilespmem:s24], [sflag:$0x2], $0x2400, $0x38;
	[tilespmem:$0x19600] =	vst v63  }
0x8a: {  	s0 =	simm.s32 $0x2  }
.LBB2_6:
0x8b: {  	_ =	swait.ge [sflag:s25], $0x2400;
	s1 =	simm.s32 $0x0  }
0x8c: {  	[sflag:s25] =	ssyncset.done $0x0;
	s7 =	sand.u32 $0x1C00, s1;
	s8 =	sand.u32 $0x380, s1  }
0x8d: {  	[sflag:s25] =	ssyncadd.s32 $0xFFFFDC00;
	s1 =	sor.u32 s8, s7  }
0x8e: {  	v3 =	vld [tilespmem:s1+$0xF8F0]  }
0x8f: {  	v4 =	vld [tilespmem:s1+$0xF880]  }
0x90: {  	v5 =	vld [tilespmem:s1+$0xF890]  }
0x91: {  	v7 =	vld [tilespmem:s1+$0xF8B0]  }
0x92: {  	s15 =	smul.u32 $0xF84, s0;
	v6 =	vld [tilespmem:s1+$0xF8A0]  }
0x93: {  	s17 =	simm.s32 $0x400;
	s30 =	simm.s32 $0x10;
	v8 =	vld [tilespmem:s1+$0xF8C0]  }
0x94: {  	s31 =	sand.u32 $0x1C00, s17;
	v2 =	vmov s15;
	s15 =	sand.u32 $0x380, s30;
	v9 =	vld [tilespmem:s1+$0xF8D0]  }
0x95: {  	v10 =	vld [tilespmem:s1+$0xF8E0];
	s17 =	sor.u32 s15, s31  }
0x96: {  	v12 =	vld [tilespmem:s17+$0xF880];
	v7 =	vadd.s32 v2, v7  }
0x97: {  	v13 =	vld [tilespmem:s17+$0xF890]  }
0x98: {  	v14 =	vld [tilespmem:s17+$0xF8A0];
	v3 =	vadd.s32 v2, v3  }
0x99: {  	v15 =	vld [tilespmem:s17+$0xF8B0];
	v4 =	vadd.s32 v2, v4  }
0x9a: {  	v16 =	vld [tilespmem:s17+$0xF8C0]  }
0x9b: {  	v5 =	vadd.s32 v2, v5;
	v11 =	vld.idx.msk [tilespmem:v7+s3+$0x0], $0xffff  }
0x9c: {  	v6 =	vadd.s32 v2, v6;
	v7 =	vld [tilespmem:s17+$0xF8F0]  }
0x9d: {  	s23 =	sand.u32 $0x1, s0;
	v8 =	vadd.s32 v2, v8;
	v3 =	vld.idx.msk [tilespmem:v3+s3+$0x0], $0xffff  }
0x9e: {  	p1 =	seq.s32 s23, $0x1;
	s1 =	simm.s32 $0x16480;
	v4 =	vld.idx.msk [tilespmem:v4+s3+$0x0], $0xffff  }
0x9f: {  	s1 =	simm.s32 @!p1 $0x14080;
	v18 =	vld [tilespmem:s17+$0xF8D0];
	v9 =	vadd.s32 v2, v9  }
0xa0: {  	s7 =	sadd.s32 s7, s1;
	v10 =	vadd.s32 v2, v10;
	v5 =	vld.idx.msk [tilespmem:v5+s3+$0x0], $0xffff  }
0xa1: {  	s16 =	sadd.s32 s8, s7;
	v6 =	vld.idx.msk [tilespmem:v6+s3+$0x0], $0xffff;
	v17 =	vadd.s32 v2, v7  }
0xa2: {  	v8 =	vld.idx.msk [tilespmem:v8+s3+$0x0], $0xffff;
	[tilespmem:s16+$0x70] =	vst v3;
	v3 =	vadd.s32 v2, v12  }
0xa3: {  	[tilespmem:s16+$0x0] =	vst v4;
	v4 =	vadd.s32 v2, v13;
	v13 =	vld [tilespmem:s17+$0xF8E0]  }
0xa4: {  	v9 =	vld.idx.msk [tilespmem:v9+s3+$0x0], $0xffff;
	v12 =	vadd.s32 v2, v14  }
0xa5: {  	v7 =	vld.idx.msk [tilespmem:v10+s3+$0x0], $0xffff;
	[tilespmem:s16+$0x30] =	vst v11;
	v11 =	vadd.s32 v2, v15  }
0xa6: {  	[tilespmem:s16+$0x10] =	vst v5;
	v10 =	vadd.s32 v2, v16;
	v5 =	vld.idx.msk [tilespmem:v17+s3+$0x0], $0xffff  }
0xa7: {  	[tilespmem:s16+$0x20] =	vst v6;
	v6 =	vld.idx.msk [tilespmem:v3+s3+$0x0], $0xffff  }
0xa8: {  	s7 =	simm.s32 $0x800;
	[tilespmem:s16+$0x40] =	vst v8;
	s17 =	simm.s32 $0x8;
	v3 =	vadd.s32 v2, v18;
	v8 =	vld.idx.msk [tilespmem:v4+s3+$0x0], $0xffff;
	v4 =	vadd.s32 v2, v13  }
.LBB2_7:
0xa9: {  	s8 =	sand.u32 $0x1C00, s7;
	v12 =	vld.idx.msk [tilespmem:v12+s3+$0x0], $0xffff;
	s30 =	sadd.s32 $0x10, s30  }
0xaa: {  	s17 =	sadd.s32 $0x8, s17;
	s31 =	sadd.s32 s31, s1;
	s23 =	sand.u32 $0x380, s30;
	v11 =	vld.idx.msk [tilespmem:v11+s3+$0x0], $0xffff;
	[tilespmem:s16+$0x50] =	vst v9  }
0xab: {  	p1 =	slt.u32 s17, $0x1F8;
	s12 =	sor.u32 s23, s8;
	v9 =	vld.idx.msk [tilespmem:v10+s3+$0x0], $0xffff;
	[tilespmem:s16+$0x60] =	vst v7;
	s16 =	sadd.s32 s15, s31  }
0xac: {  	s31 =	smov.u32 s8;
	s15 =	smov.u32 s23;
	v7 =	vld [tilespmem:s12+$0xF8F0];
	[tilespmem:s16+$0x70] =	vst v5  }
0xad: {  	v5 =	vld [tilespmem:s12+$0xF880];
	[tilespmem:s16+$0x0] =	vst v6  }
0xae: {  	v6 =	vld [tilespmem:s12+$0xF890];
	[tilespmem:s16+$0x10] =	vst v8  }
0xaf: {  	v8 =	vld [tilespmem:s12+$0xF8A0];
	[tilespmem:s16+$0x20] =	vst v12  }
0xb0: {  	v10 =	vld [tilespmem:s12+$0xF8B0];
	[tilespmem:s16+$0x30] =	vst v11  }
0xb1: {  	v13 =	vld [tilespmem:s12+$0xF8C0];
	v14 =	vadd.s32 v2, v7;
	[tilespmem:s16+$0x40] =	vst v9  }
0xb2: {  	v15 =	vadd.s32 v2, v5;
	v16 =	vld [tilespmem:s12+$0xF8D0]  }
0xb3: {  	v17 =	vadd.s32 v2, v6;
	v18 =	vld [tilespmem:s12+$0xF8E0]  }
.Ltmp4:
0xb4: {  	v12 =	vadd.s32 v2, v8;
	v9 =	vld.idx.msk [tilespmem:v3+s3+$0x0], $0xffff;
	(pc) =	sbr.rel @p1 .LBB2_7-.Ltmp4, $4  }
0xb5: {  	v11 =	vadd.s32 v2, v10;
	v7 =	vld.idx.msk [tilespmem:v4+s3+$0x0], $0xffff  }
0xb6: {  	v10 =	vadd.s32 v2, v13;
	v5 =	vld.idx.msk [tilespmem:v14+s3+$0x0], $0xffff  }
0xb7: {  	v6 =	vld.idx.msk [tilespmem:v15+s3+$0x0], $0xffff;
	v3 =	vadd.s32 v2, v16  }
0xb8: {  	s7 =	sadd.s32 $0x400, s7;
	v8 =	vld.idx.msk [tilespmem:v17+s3+$0x0], $0xffff;
	v4 =	vadd.s32 v2, v18  }
0xb9: {  	_ =	sdelay $0x3  }
0xba: {  	v12 =	vld.idx.msk [tilespmem:v12+s3+$0x0], $0xffff;
	s7 =	sadd.s32 s31, s1;
	[tilespmem:s16+$0x50] =	vst v9  }
0xbb: {  	v62 =	vld.idx.msk [tilespmem:v11+s3+$0x0], $0xffff;
	s7 =	sadd.s32 s15, s7;
	[tilespmem:s16+$0x60] =	vst v7  }
0xbc: {  	v63 =	vld.idx.msk [tilespmem:v10+s3+$0x0], $0xffff;
	[tilespmem:s7+$0x70] =	vst v5  }
0xbd: {  	v3 =	vld.idx.msk [tilespmem:v3+s3+$0x0], $0xffff;
	[tilespmem:s7+$0x0] =	vst v6  }
0xbe: {  	v4 =	vld.idx.msk [tilespmem:v4+s3+$0x0], $0xffff;
	[tilespmem:s7+$0x10] =	vst v8  }
0xbf: {  	[tilespmem:s7+$0x20] =	vst v12  }
0xc0: {  	[tilespmem:s7+$0x30] =	vst v62  }
0xc1: {  	[tilespmem:s7+$0x40] =	vst v63  }
0xc2: {  	[tilespmem:s7+$0x50] =	vst v3  }
0xc3: {  	[tilespmem:s7+$0x60] =	vst v4  }
0xc4: {  	v3 =	vld.idx.msk [tilespmem:v0+s20+$0x0], $0xff;
	_ =	sdelay $0x4  }
0xc5: {  	v2 =	vadd.s32 v2, v3;
	_ =	sdelay $0x4  }
0xc6: {  	s31 =	smul.u32 $0x122400, s0;
	s0 =	sadd.s32 $0x1, s0;
	v2 =	vld.idx.msk [tilespmem:v2+s3+$0x0], $0xff  }
0xc7: {  	p1 =	sne.s32 s0, $0x10  }
.Ltmp5:
0xc8: {  	_ = 	snop;
	(pc) =	sbr.rel @p1 .LBB2_6-.Ltmp5, $4  }
0xc9: {  	s7 =	sadd.s32 s4, s31  }
0xca: {  	s7 =	sshrl.u32 s7, $0x3  }
0xcb: {  	s7 =	sadd.s32 s5, s7;
	[tilespmem:v0+s1+$0x0] =	vst.idx.msk $0xff, v2  }
0xcc: {  	[hbm4b:s7+s3] =	stream.linear.scatter [tilespmem:s1], [sflag:$0x2], $0x2400, $0x38;
	[tilespmem:$0x19600] =	vst v63  }
0xcd: {  	s0 =	simm.s32 $0x0;
	s1 =	rddreg [dreg:$0x7]  }
0xce: {  	[tilespmem:s20], [sflag:$0x1] =	stream.linear.gather [hbm4b:s1+s0], $0x2400, $0x38;
	[tilespmem:$0x19600] =	vst v63  }
0xcf: {  	_ =	swait.ge [sflag:s22], $0x2400  }
0xd0: {  	[sflag:s22] =	ssyncset.done $0x0  }
0xd1: {  	s1 =	simm.s32 $0x0;
	[sflag:s22] =	ssyncadd.s32 $0xFFFFDC00  }
.LBB2_10:
0xd2: {  	_ =	swait.ge [sflag:s25], $0x2400  }
0xd3: {  	s7 =	sand.u32 $0x1C00, s0;
	s8 =	sand.u32 $0x380, s0;
	[sflag:s25] =	ssyncset.done $0x0  }
0xd4: {  	s12 =	sor.u32 s8, s7;
	[sflag:s25] =	ssyncadd.s32 $0xFFFFDC00  }
0xd5: {  	v3 =	vld [tilespmem:s12+$0x11C80];
	_ =	sdelay $0x1  }
0xd6: {  	s15 =	smul.u32 $0xF84, s1;
	s12 =	sadd.s32 $0xF880, s12  }
0xd7: {  	v4 =	vld [tilespmem:s12+$0x2470]  }
0xd8: {  	v2 =	vmov s15;
	v5 =	vld [tilespmem:s12+$0x2410]  }
0xd9: {  	v8 =	vld [tilespmem:s12+$0x2440];
	v3 =	vadd.s32 v2, v3;
	_ =	sdelay $0x2  }
0xda: {  	v6 =	vld [tilespmem:s12+$0x2420];
	v4 =	vadd.s32 v2, v4  }
0xdb: {  	v7 =	vld [tilespmem:s12+$0x2430];
	v5 =	vadd.s32 v2, v5  }
0xdc: {  	v11 =	vld.idx.msk [tilespmem:v3+s3+$0x0], $0xffff;
	v3 =	vadd.s32 v2, v8  }
0xdd: {  	v9 =	vld [tilespmem:s12+$0x2450]  }
0xde: {  	v10 =	vld [tilespmem:s12+$0x2460]  }
0xdf: {  	s17 =	simm.s32 $0x400;
	s16 =	simm.s32 $0x10;
	v6 =	vadd.s32 v2, v6;
	v4 =	vld.idx.msk [tilespmem:v4+s3+$0x0], $0xffff  }
0xe0: {  	s31 =	sand.u32 $0x380, s16;
	s15 =	sand.u32 $0x1C00, s17;
	v7 =	vadd.s32 v2, v7;
	v5 =	vld.idx.msk [tilespmem:v5+s3+$0x0], $0xffff  }
0xe1: {  	s12 =	sor.u32 s31, s15;
	v8 =	vld.idx.msk [tilespmem:v3+s3+$0x0], $0xffff  }
0xe2: {  	v3 =	vld [tilespmem:s12+$0x11C80];
	s12 =	sadd.s32 $0xF880, s12  }
0xe3: {  	v12 =	vld [tilespmem:s12+$0x2470]  }
0xe4: {  	v6 =	vld.idx.msk [tilespmem:v6+s3+$0x0], $0xffff  }
0xe5: {  	v9 =	vadd.s32 v2, v9;
	v7 =	vld.idx.msk [tilespmem:v7+s3+$0x0], $0xffff  }
0xe6: {  	s23 =	sand.u32 $0x1, s1;
	v13 =	vld [tilespmem:s12+$0x2410]  }
0xe7: {  	s30 =	simm.s32 $0x16480;
	p1 =	seq.s32 s23, $0x1;
	v14 =	vld [tilespmem:s12+$0x2420]  }
0xe8: {  	s30 =	simm.s32 @!p1 $0x14080;
	v16 =	vld [tilespmem:s12+$0x2430];
	v12 =	vadd.s32 v2, v12  }
0xe9: {  	s7 =	sadd.s32 s7, s30;
	v15 =	vadd.s32 v2, v10;
	v17 =	vld [tilespmem:s12+$0x2440]  }
0xea: {  	s16 =	sadd.s32 s8, s7;
	v10 =	vld.idx.msk [tilespmem:v9+s3+$0x0], $0xffff;
	v3 =	vadd.s32 v2, v3  }
0xeb: {  	v18 =	vld [tilespmem:s12+$0x2450];
	[tilespmem:s16+$0x70] =	vst v4;
	v4 =	vadd.s32 v2, v13  }
0xec: {  	[tilespmem:s16+$0x0] =	vst v11;
	v13 =	vld [tilespmem:s12+$0x2460];
	v14 =	vadd.s32 v2, v14  }
0xed: {  	[tilespmem:s16+$0x30] =	vst v7;
	v7 =	vld.idx.msk [tilespmem:v12+s3+$0x0], $0xffff;
	v12 =	vadd.s32 v2, v16  }
0xee: {  	[tilespmem:s16+$0x20] =	vst v6;
	v6 =	vld.idx.msk [tilespmem:v15+s3+$0x0], $0xffff;
	v11 =	vadd.s32 v2, v17  }
0xef: {  	v3 =	vld.idx.msk [tilespmem:v3+s3+$0x0], $0xffff  }
0xf0: {  	[tilespmem:s16+$0x40] =	vst v8;
	v8 =	vld.idx.msk [tilespmem:v4+s3+$0x0], $0xffff  }
0xf1: {  	s17 =	simm.s32 $0x8;
	s7 =	simm.s32 $0x800;
	s8 =	simm.s32 $0x20;
	[tilespmem:s16+$0x10] =	vst v5;
	v4 =	vadd.s32 v2, v18;
	v5 =	vadd.s32 v2, v13;
	v9 =	vld.idx.msk [tilespmem:v14+s3+$0x0], $0xffff  }
.LBB2_11:
0xf2: {  	s12 =	sand.u32 $0x1C00, s7;
	s23 =	sand.u32 $0x380, s8;
	s17 =	sadd.s32 $0x8, s17;
	v12 =	vld.idx.msk [tilespmem:v12+s3+$0x0], $0xffff;
	[tilespmem:s16+$0x50] =	vst v10  }
0xf3: {  	s15 =	sadd.s32 s15, s30;
	s13 =	sor.u32 s23, s12;
	p1 =	slt.u32 s17, $0x1F8;
	v10 =	vld.idx.msk [tilespmem:v11+s3+$0x0], $0xffff;
	[tilespmem:s16+$0x60] =	vst v6  }
0xf4: {  	s16 =	sadd.s32 s31, s15;
	s15 =	smov.u32 s12;
	v6 =	vld [tilespmem:s13+$0x11C80];
	s13 =	sadd.s32 $0xF880, s13  }
0xf5: {  	s31 =	smov.u32 s23;
	v11 =	vld [tilespmem:s13+$0x2470];
	[tilespmem:s16+$0x70] =	vst v7  }
0xf6: {  	v7 =	vld [tilespmem:s13+$0x2410];
	[tilespmem:s16+$0x10] =	vst v8  }
0xf7: {  	v8 =	vld [tilespmem:s13+$0x2420];
	[tilespmem:s16+$0x20] =	vst v9  }
0xf8: {  	v9 =	vld [tilespmem:s13+$0x2430];
	[tilespmem:s16+$0x30] =	vst v12  }
0xf9: {  	v13 =	vadd.s32 v2, v6;
	v14 =	vld [tilespmem:s13+$0x2440];
	[tilespmem:s16+$0x40] =	vst v10  }
0xfa: {  	v15 =	vld [tilespmem:s13+$0x2450];
	v16 =	vadd.s32 v2, v11;
	[tilespmem:s16+$0x0] =	vst v3  }
0xfb: {  	v17 =	vadd.s32 v2, v7;
	v18 =	vld [tilespmem:s13+$0x2460]  }
0xfc: {  	v19 =	vadd.s32 v2, v8;
	v10 =	vld.idx.msk [tilespmem:v4+s3+$0x0], $0xffff  }
.Ltmp6:
0xfd: {  	v12 =	vadd.s32 v2, v9;
	v6 =	vld.idx.msk [tilespmem:v5+s3+$0x0], $0xffff;
	(pc) =	sbr.rel @p1 .LBB2_11-.Ltmp6, $4  }
0xfe: {  	v3 =	vld.idx.msk [tilespmem:v13+s3+$0x0], $0xffff;
	v11 =	vadd.s32 v2, v14  }
0xff: {  	v4 =	vadd.s32 v2, v15;
	v7 =	vld.idx.msk [tilespmem:v16+s3+$0x0], $0xffff  }
0x100: {  	v8 =	vld.idx.msk [tilespmem:v17+s3+$0x0], $0xffff;
	v5 =	vadd.s32 v2, v18  }
0x101: {  	s7 =	sadd.s32 $0x400, s7;
	s8 =	sadd.s32 $0x10, s8;
	v9 =	vld.idx.msk [tilespmem:v19+s3+$0x0], $0xffff  }
0x102: {  	_ =	sdelay $0x2  }
0x103: {  	[tilespmem:s16+$0x50] =	vst v10;
	s7 =	sadd.s32 s15, s30  }
0x104: {  	v12 =	vld.idx.msk [tilespmem:v12+s3+$0x0], $0xffff;
	[tilespmem:s16+$0x60] =	vst v6;
	s7 =	sadd.s32 s31, s7  }
0x105: {  	v63 =	vld.idx.msk [tilespmem:v11+s3+$0x0], $0xffff;
	[tilespmem:s7+$0x70] =	vst v7  }
0x106: {  	v4 =	vld.idx.msk [tilespmem:v4+s3+$0x0], $0xffff;
	[tilespmem:s7+$0x0] =	vst v3  }
0x107: {  	v5 =	vld.idx.msk [tilespmem:v5+s3+$0x0], $0xffff;
	[tilespmem:s7+$0x10] =	vst v8  }
0x108: {  	[tilespmem:s7+$0x20] =	vst v9  }
0x109: {  	[tilespmem:s7+$0x30] =	vst v12  }
0x10a: {  	[tilespmem:s7+$0x40] =	vst v63  }
0x10b: {  	[tilespmem:s7+$0x50] =	vst v4  }
0x10c: {  	[tilespmem:s7+$0x60] =	vst v5  }
0x10d: {  	v3 =	vld.idx.msk [tilespmem:v0+s21+$0x0], $0xff;
	_ =	sdelay $0x4  }
0x10e: {  	v2 =	vadd.s32 v2, v3;
	_ =	sdelay $0x4  }
0x10f: {  	s31 =	smul.u32 $0x122400, s1;
	s1 =	sadd.s32 $0x1, s1;
	v2 =	vld.idx.msk [tilespmem:v2+s3+$0x0], $0xff  }
0x110: {  	p1 =	sne.s32 s1, $0x10  }
.Ltmp7:
0x111: {  	_ = 	snop;
	(pc) =	sbr.rel @p1 .LBB2_10-.Ltmp7, $4  }
0x112: {  	s7 =	sadd.s32 s6, s31  }
0x113: {  	s7 =	sshrl.u32 s7, $0x3  }
0x114: {  	s7 =	sadd.s32 s5, s7;
	[tilespmem:v0+s30+$0x0] =	vst.idx.msk $0xff, v2  }
0x115: {  	[hbm4b:s7+s3] =	stream.linear.scatter [tilespmem:s30], [sflag:$0x2], $0x2400, $0x38;
	[tilespmem:$0x19600] =	vst v63  }
0x116: {  	s0 =	simm.s32 $0x0  }
0x117: {  	[tilespmem:s21], [sflag:$0x1] =	stream.linear.gather [hbm4b:s14+s0], $0x2400, $0x38;
	[tilespmem:$0x19600] =	vst v63  }
0x118: {  	_ =	swait.ge [sflag:s22], $0x2400  }
0x119: {  	[sflag:s22] =	ssyncset.done $0x0  }
0x11a: {  	s1 =	simm.s32 $0x0;
	[sflag:s22] =	ssyncadd.s32 $0xFFFFDC00  }
.LBB2_14:
0x11b: {  	_ =	swait.ge [sflag:s25], $0x2400  }
0x11c: {  	s7 =	sand.u32 $0x1C00, s0;
	s8 =	sand.u32 $0x380, s0;
	[sflag:s25] =	ssyncset.done $0x0  }
0x11d: {  	s12 =	sor.u32 s8, s7;
	[sflag:s25] =	ssyncadd.s32 $0xFFFFDC00  }
0x11e: {  	v3 =	vld [tilespmem:s12+$0xF8F0]  }
0x11f: {  	v4 =	vld [tilespmem:s12+$0xF880]  }
0x120: {  	v5 =	vld [tilespmem:s12+$0xF890]  }
0x121: {  	v7 =	vld [tilespmem:s12+$0xF8B0]  }
0x122: {  	v6 =	vld [tilespmem:s12+$0xF8A0]  }
0x123: {  	s13 =	smul.u32 $0xF84, s1;
	s17 =	simm.s32 $0x400;
	s31 =	simm.s32 $0x10;
	v8 =	vld [tilespmem:s12+$0xF8C0]  }
0x124: {  	s16 =	sand.u32 $0x1C00, s17;
	s15 =	sand.u32 $0x380, s31;
	v9 =	vld [tilespmem:s12+$0xF8D0]  }
0x125: {  	v2 =	vmov s13;
	v10 =	vld [tilespmem:s12+$0xF8E0];
	s12 =	sor.u32 s15, s16  }
0x126: {  	v12 =	vld [tilespmem:s12+$0xF880];
	v7 =	vadd.s32 v2, v7  }
0x127: {  	v13 =	vld [tilespmem:s12+$0xF890]  }
0x128: {  	v14 =	vld [tilespmem:s12+$0xF8A0];
	v3 =	vadd.s32 v2, v3  }
0x129: {  	v15 =	vld [tilespmem:s12+$0xF8B0];
	v4 =	vadd.s32 v2, v4  }
0x12a: {  	v16 =	vld [tilespmem:s12+$0xF8C0]  }
0x12b: {  	v5 =	vadd.s32 v2, v5;
	v11 =	vld.idx.msk [tilespmem:v7+s3+$0x0], $0xffff  }
0x12c: {  	v6 =	vadd.s32 v2, v6;
	v7 =	vld [tilespmem:s12+$0xF8F0]  }
0x12d: {  	s23 =	sand.u32 $0x1, s1;
	v8 =	vadd.s32 v2, v8;
	v3 =	vld.idx.msk [tilespmem:v3+s3+$0x0], $0xffff  }
0x12e: {  	s30 =	simm.s32 $0x16480;
	p1 =	seq.s32 s23, $0x1;
	v4 =	vld.idx.msk [tilespmem:v4+s3+$0x0], $0xffff  }
0x12f: {  	s30 =	simm.s32 @!p1 $0x14080;
	v18 =	vld [tilespmem:s12+$0xF8D0];
	v9 =	vadd.s32 v2, v9  }
0x130: {  	s7 =	sadd.s32 s7, s30;
	v10 =	vadd.s32 v2, v10;
	v5 =	vld.idx.msk [tilespmem:v5+s3+$0x0], $0xffff  }
0x131: {  	s17 =	sadd.s32 s8, s7;
	v6 =	vld.idx.msk [tilespmem:v6+s3+$0x0], $0xffff;
	v17 =	vadd.s32 v2, v7  }
0x132: {  	v8 =	vld.idx.msk [tilespmem:v8+s3+$0x0], $0xffff;
	[tilespmem:s17+$0x70] =	vst v3;
	v3 =	vadd.s32 v2, v12  }
0x133: {  	[tilespmem:s17+$0x0] =	vst v4;
	v4 =	vadd.s32 v2, v13;
	v13 =	vld [tilespmem:s12+$0xF8E0]  }
0x134: {  	v9 =	vld.idx.msk [tilespmem:v9+s3+$0x0], $0xffff;
	v12 =	vadd.s32 v2, v14  }
0x135: {  	v7 =	vld.idx.msk [tilespmem:v10+s3+$0x0], $0xffff;
	[tilespmem:s17+$0x30] =	vst v11;
	v11 =	vadd.s32 v2, v15  }
0x136: {  	[tilespmem:s17+$0x10] =	vst v5;
	v10 =	vadd.s32 v2, v16;
	v5 =	vld.idx.msk [tilespmem:v17+s3+$0x0], $0xffff  }
0x137: {  	[tilespmem:s17+$0x20] =	vst v6;
	v6 =	vld.idx.msk [tilespmem:v3+s3+$0x0], $0xffff  }
0x138: {  	s7 =	simm.s32 $0x8;
	s8 =	simm.s32 $0x800;
	[tilespmem:s17+$0x40] =	vst v8;
	v3 =	vadd.s32 v2, v18;
	v8 =	vld.idx.msk [tilespmem:v4+s3+$0x0], $0xffff;
	v4 =	vadd.s32 v2, v13  }
.LBB2_15:
0x139: {  	s12 =	sand.u32 $0x1C00, s8;
	v12 =	vld.idx.msk [tilespmem:v12+s3+$0x0], $0xffff;
	s31 =	sadd.s32 $0x10, s31  }
0x13a: {  	s7 =	sadd.s32 $0x8, s7;
	s16 =	sadd.s32 s16, s30;
	s13 =	sand.u32 $0x380, s31;
	v11 =	vld.idx.msk [tilespmem:v11+s3+$0x0], $0xffff;
	[tilespmem:s17+$0x50] =	vst v9  }
0x13b: {  	p1 =	slt.u32 s7, $0x1F8;
	s23 =	sor.u32 s13, s12;
	v9 =	vld.idx.msk [tilespmem:v10+s3+$0x0], $0xffff;
	[tilespmem:s17+$0x60] =	vst v7;
	s17 =	sadd.s32 s15, s16  }
0x13c: {  	s16 =	smov.u32 s12;
	s15 =	smov.u32 s13;
	v7 =	vld [tilespmem:s23+$0xF8F0];
	[tilespmem:s17+$0x70] =	vst v5  }
0x13d: {  	v5 =	vld [tilespmem:s23+$0xF880];
	[tilespmem:s17+$0x0] =	vst v6  }
0x13e: {  	v6 =	vld [tilespmem:s23+$0xF890];
	[tilespmem:s17+$0x10] =	vst v8  }
0x13f: {  	v8 =	vld [tilespmem:s23+$0xF8A0];
	[tilespmem:s17+$0x20] =	vst v12  }
0x140: {  	v10 =	vld [tilespmem:s23+$0xF8B0];
	[tilespmem:s17+$0x30] =	vst v11  }
0x141: {  	v13 =	vld [tilespmem:s23+$0xF8C0];
	v14 =	vadd.s32 v2, v7;
	[tilespmem:s17+$0x40] =	vst v9  }
0x142: {  	v15 =	vadd.s32 v2, v5;
	v16 =	vld [tilespmem:s23+$0xF8D0]  }
0x143: {  	v17 =	vadd.s32 v2, v6;
	v18 =	vld [tilespmem:s23+$0xF8E0]  }
.Ltmp8:
0x144: {  	v12 =	vadd.s32 v2, v8;
	v9 =	vld.idx.msk [tilespmem:v3+s3+$0x0], $0xffff;
	(pc) =	sbr.rel @p1 .LBB2_15-.Ltmp8, $4  }
0x145: {  	v11 =	vadd.s32 v2, v10;
	v7 =	vld.idx.msk [tilespmem:v4+s3+$0x0], $0xffff  }
0x146: {  	v10 =	vadd.s32 v2, v13;
	v5 =	vld.idx.msk [tilespmem:v14+s3+$0x0], $0xffff  }
0x147: {  	v6 =	vld.idx.msk [tilespmem:v15+s3+$0x0], $0xffff;
	v3 =	vadd.s32 v2, v16  }
0x148: {  	s8 =	sadd.s32 $0x400, s8;
	v8 =	vld.idx.msk [tilespmem:v17+s3+$0x0], $0xffff;
	v4 =	vadd.s32 v2, v18  }
0x149: {  	_ =	sdelay $0x3  }
0x14a: {  	v12 =	vld.idx.msk [tilespmem:v12+s3+$0x0], $0xffff;
	s7 =	sadd.s32 s16, s30;
	[tilespmem:s17+$0x50] =	vst v9  }
0x14b: {  	v62 =	vld.idx.msk [tilespmem:v11+s3+$0x0], $0xffff;
	s7 =	sadd.s32 s15, s7;
	[tilespmem:s17+$0x60] =	vst v7  }
0x14c: {  	v63 =	vld.idx.msk [tilespmem:v10+s3+$0x0], $0xffff;
	[tilespmem:s7+$0x70] =	vst v5  }
0x14d: {  	v3 =	vld.idx.msk [tilespmem:v3+s3+$0x0], $0xffff;
	[tilespmem:s7+$0x0] =	vst v6  }
0x14e: {  	v4 =	vld.idx.msk [tilespmem:v4+s3+$0x0], $0xffff;
	[tilespmem:s7+$0x10] =	vst v8  }
0x14f: {  	[tilespmem:s7+$0x20] =	vst v12  }
0x150: {  	[tilespmem:s7+$0x30] =	vst v62  }
0x151: {  	[tilespmem:s7+$0x40] =	vst v63  }
0x152: {  	[tilespmem:s7+$0x50] =	vst v3  }
0x153: {  	[tilespmem:s7+$0x60] =	vst v4  }
0x154: {  	v3 =	vld.idx.msk [tilespmem:v0+s20+$0x0], $0xff;
	_ =	sdelay $0x4  }
0x155: {  	v2 =	vadd.s32 v2, v3;
	_ =	sdelay $0x4  }
0x156: {  	s31 =	smul.u32 $0x122400, s1;
	s1 =	sadd.s32 $0x1, s1;
	v2 =	vld.idx.msk [tilespmem:v2+s3+$0x0], $0xff  }
0x157: {  	p1 =	sne.s32 s1, $0x10  }
.Ltmp9:
0x158: {  	_ = 	snop;
	(pc) =	sbr.rel @p1 .LBB2_14-.Ltmp9, $4  }
0x159: {  	s7 =	sadd.s32 s9, s31  }
0x15a: {  	s7 =	sshrl.u32 s7, $0x3  }
0x15b: {  	s7 =	sadd.s32 s5, s7;
	[tilespmem:v0+s30+$0x0] =	vst.idx.msk $0xff, v2  }
0x15c: {  	[hbm4b:s7+s3] =	stream.linear.scatter [tilespmem:s30], [sflag:$0x2], $0x2400, $0x38;
	[tilespmem:$0x19600] =	vst v63  }
0x15d: {  	_ =	swait.ge [sflag:s22], $0x2400  }
0x15e: {  	[sflag:s22] =	ssyncset.done $0x0  }
0x15f: {  	s0 =	simm.s32 $0x0;
	s1 =	simm.s32 $0x0;
	[sflag:s22] =	ssyncadd.s32 $0xFFFFDC00  }
.LBB2_18:
0x160: {  	_ =	swait.ge [sflag:s25], $0x2400  }
0x161: {  	s7 =	sand.u32 $0x1C00, s0;
	s8 =	sand.u32 $0x380, s0;
	[sflag:s25] =	ssyncset.done $0x0  }
0x162: {  	s12 =	sor.u32 s8, s7;
	[sflag:s25] =	ssyncadd.s32 $0xFFFFDC00  }
0x163: {  	v3 =	vld [tilespmem:s12+$0x11C80];
	_ =	sdelay $0x1  }
0x164: {  	s13 =	smul.u32 $0xF84, s1;
	s12 =	sadd.s32 $0xF880, s12  }
0x165: {  	v4 =	vld [tilespmem:s12+$0x2470]  }
0x166: {  	v2 =	vmov s13;
	v5 =	vld [tilespmem:s12+$0x2410]  }
0x167: {  	v8 =	vld [tilespmem:s12+$0x2440];
	v3 =	vadd.s32 v2, v3;
	_ =	sdelay $0x2  }
0x168: {  	v6 =	vld [tilespmem:s12+$0x2420];
	v4 =	vadd.s32 v2, v4  }
0x169: {  	v7 =	vld [tilespmem:s12+$0x2430];
	v5 =	vadd.s32 v2, v5  }
0x16a: {  	v11 =	vld.idx.msk [tilespmem:v3+s3+$0x0], $0xffff;
	v3 =	vadd.s32 v2, v8  }
0x16b: {  	v9 =	vld [tilespmem:s12+$0x2450]  }
0x16c: {  	v10 =	vld [tilespmem:s12+$0x2460]  }
0x16d: {  	s16 =	simm.s32 $0x400;
	s17 =	simm.s32 $0x10;
	v6 =	vadd.s32 v2, v6;
	v4 =	vld.idx.msk [tilespmem:v4+s3+$0x0], $0xffff  }
0x16e: {  	s15 =	sand.u32 $0x1C00, s16;
	s31 =	sand.u32 $0x380, s17;
	v7 =	vadd.s32 v2, v7;
	v5 =	vld.idx.msk [tilespmem:v5+s3+$0x0], $0xffff  }
0x16f: {  	s12 =	sor.u32 s31, s15;
	v8 =	vld.idx.msk [tilespmem:v3+s3+$0x0], $0xffff  }
0x170: {  	v3 =	vld [tilespmem:s12+$0x11C80];
	s12 =	sadd.s32 $0xF880, s12  }
0x171: {  	v12 =	vld [tilespmem:s12+$0x2470]  }
0x172: {  	v6 =	vld.idx.msk [tilespmem:v6+s3+$0x0], $0xffff  }
0x173: {  	v9 =	vadd.s32 v2, v9;
	v7 =	vld.idx.msk [tilespmem:v7+s3+$0x0], $0xffff  }
0x174: {  	s23 =	sand.u32 $0x1, s1;
	v13 =	vld [tilespmem:s12+$0x2410]  }
0x175: {  	s30 =	simm.s32 $0x16480;
	p1 =	seq.s32 s23, $0x1;
	v14 =	vld [tilespmem:s12+$0x2420]  }
0x176: {  	s30 =	simm.s32 @!p1 $0x14080;
	v16 =	vld [tilespmem:s12+$0x2430];
	v12 =	vadd.s32 v2, v12  }
0x177: {  	s7 =	sadd.s32 s7, s30;
	v15 =	vadd.s32 v2, v10;
	v17 =	vld [tilespmem:s12+$0x2440]  }
0x178: {  	s16 =	sadd.s32 s8, s7;
	v10 =	vld.idx.msk [tilespmem:v9+s3+$0x0], $0xffff;
	v3 =	vadd.s32 v2, v3  }
0x179: {  	v18 =	vld [tilespmem:s12+$0x2450];
	[tilespmem:s16+$0x70] =	vst v4;
	v4 =	vadd.s32 v2, v13  }
0x17a: {  	[tilespmem:s16+$0x0] =	vst v11;
	v13 =	vld [tilespmem:s12+$0x2460];
	v14 =	vadd.s32 v2, v14  }
0x17b: {  	[tilespmem:s16+$0x30] =	vst v7;
	v7 =	vld.idx.msk [tilespmem:v12+s3+$0x0], $0xffff;
	v12 =	vadd.s32 v2, v16  }
0x17c: {  	[tilespmem:s16+$0x20] =	vst v6;
	v6 =	vld.idx.msk [tilespmem:v15+s3+$0x0], $0xffff;
	v11 =	vadd.s32 v2, v17  }
0x17d: {  	v3 =	vld.idx.msk [tilespmem:v3+s3+$0x0], $0xffff  }
0x17e: {  	[tilespmem:s16+$0x40] =	vst v8;
	v8 =	vld.idx.msk [tilespmem:v4+s3+$0x0], $0xffff  }
0x17f: {  	s17 =	simm.s32 $0x8;
	s7 =	simm.s32 $0x800;
	s8 =	simm.s32 $0x20;
	[tilespmem:s16+$0x10] =	vst v5;
	v4 =	vadd.s32 v2, v18;
	v5 =	vadd.s32 v2, v13;
	v9 =	vld.idx.msk [tilespmem:v14+s3+$0x0], $0xffff  }
.LBB2_19:
0x180: {  	s12 =	sand.u32 $0x1C00, s7;
	s13 =	sand.u32 $0x380, s8;
	s17 =	sadd.s32 $0x8, s17;
	v12 =	vld.idx.msk [tilespmem:v12+s3+$0x0], $0xffff;
	[tilespmem:s16+$0x50] =	vst v10  }
0x181: {  	s15 =	sadd.s32 s15, s30;
	s23 =	sor.u32 s13, s12;
	p1 =	slt.u32 s17, $0x1F8;
	v10 =	vld.idx.msk [tilespmem:v11+s3+$0x0], $0xffff;
	[tilespmem:s16+$0x60] =	vst v6  }
0x182: {  	s16 =	sadd.s32 s31, s15;
	s15 =	smov.u32 s12;
	v6 =	vld [tilespmem:s23+$0x11C80];
	s23 =	sadd.s32 $0xF880, s23  }
0x183: {  	s31 =	smov.u32 s13;
	v11 =	vld [tilespmem:s23+$0x2470];
	[tilespmem:s16+$0x70] =	vst v7  }
0x184: {  	v7 =	vld [tilespmem:s23+$0x2410];
	[tilespmem:s16+$0x10] =	vst v8  }
0x185: {  	v8 =	vld [tilespmem:s23+$0x2420];
	[tilespmem:s16+$0x20] =	vst v9  }
0x186: {  	v9 =	vld [tilespmem:s23+$0x2430];
	[tilespmem:s16+$0x30] =	vst v12  }
0x187: {  	v13 =	vadd.s32 v2, v6;
	v14 =	vld [tilespmem:s23+$0x2440];
	[tilespmem:s16+$0x40] =	vst v10  }
0x188: {  	v15 =	vld [tilespmem:s23+$0x2450];
	v16 =	vadd.s32 v2, v11;
	[tilespmem:s16+$0x0] =	vst v3  }
0x189: {  	v17 =	vadd.s32 v2, v7;
	v18 =	vld [tilespmem:s23+$0x2460]  }
0x18a: {  	v19 =	vadd.s32 v2, v8;
	v10 =	vld.idx.msk [tilespmem:v4+s3+$0x0], $0xffff  }
.Ltmp10:
0x18b: {  	v12 =	vadd.s32 v2, v9;
	v6 =	vld.idx.msk [tilespmem:v5+s3+$0x0], $0xffff;
	(pc) =	sbr.rel @p1 .LBB2_19-.Ltmp10, $4  }
0x18c: {  	v3 =	vld.idx.msk [tilespmem:v13+s3+$0x0], $0xffff;
	v11 =	vadd.s32 v2, v14  }
0x18d: {  	v4 =	vadd.s32 v2, v15;
	v7 =	vld.idx.msk [tilespmem:v16+s3+$0x0], $0xffff  }
0x18e: {  	v8 =	vld.idx.msk [tilespmem:v17+s3+$0x0], $0xffff;
	v5 =	vadd.s32 v2, v18  }
0x18f: {  	s7 =	sadd.s32 $0x400, s7;
	s8 =	sadd.s32 $0x10, s8;
	v9 =	vld.idx.msk [tilespmem:v19+s3+$0x0], $0xffff  }
0x190: {  	_ =	sdelay $0x2  }
0x191: {  	[tilespmem:s16+$0x50] =	vst v10;
	s7 =	sadd.s32 s15, s30  }
0x192: {  	v12 =	vld.idx.msk [tilespmem:v12+s3+$0x0], $0xffff;
	[tilespmem:s16+$0x60] =	vst v6;
	s7 =	sadd.s32 s31, s7  }
0x193: {  	v63 =	vld.idx.msk [tilespmem:v11+s3+$0x0], $0xffff;
	[tilespmem:s7+$0x70] =	vst v7  }
0x194: {  	v4 =	vld.idx.msk [tilespmem:v4+s3+$0x0], $0xffff;
	[tilespmem:s7+$0x0] =	vst v3  }
0x195: {  	v5 =	vld.idx.msk [tilespmem:v5+s3+$0x0], $0xffff;
	[tilespmem:s7+$0x10] =	vst v8  }
0x196: {  	[tilespmem:s7+$0x20] =	vst v9  }
0x197: {  	[tilespmem:s7+$0x30] =	vst v12  }
0x198: {  	[tilespmem:s7+$0x40] =	vst v63  }
0x199: {  	[tilespmem:s7+$0x50] =	vst v4  }
0x19a: {  	[tilespmem:s7+$0x60] =	vst v5  }
0x19b: {  	v3 =	vld.idx.msk [tilespmem:v0+s21+$0x0], $0xff;
	_ =	sdelay $0x4  }
0x19c: {  	v2 =	vadd.s32 v2, v3;
	_ =	sdelay $0x4  }
0x19d: {  	s31 =	smul.u32 $0x122400, s1;
	s1 =	sadd.s32 $0x1, s1;
	v2 =	vld.idx.msk [tilespmem:v2+s3+$0x0], $0xff  }
0x19e: {  	p1 =	sne.s32 s1, $0x10  }
.Ltmp11:
0x19f: {  	_ = 	snop;
	(pc) =	sbr.rel @p1 .LBB2_18-.Ltmp11, $4  }
0x1a0: {  	s7 =	sadd.s32 s10, s31  }
0x1a1: {  	s7 =	sshrl.u32 s7, $0x3  }
0x1a2: {  	s7 =	sadd.s32 s5, s7;
	[tilespmem:v0+s30+$0x0] =	vst.idx.msk $0xff, v2  }
0x1a3: {  	[hbm4b:s7+s3] =	stream.linear.scatter [tilespmem:s30], [sflag:$0x2], $0x2400, $0x38;
	[tilespmem:$0x19600] =	vst v63  }
0x1a4: {  	_ =	swait.ge [sflag:s25], $0x2400  }
.Ltmp12:
0x1a5: {  	[sflag:s25] =	ssyncset.done $0x0;
	(pc) =	sbr.rel @p0 .LBB2_31-.Ltmp12, $4  }
0x1a6: {  	[sflag:s25] =	ssyncadd.s32 $0xFFFFDC00  }
0x1a7: {  	_ =	swait.ge [sflag:s25], $0x2400  }
0x1a8: {  	[sflag:s25] =	ssyncset.done $0x0  }
0x1a9: {  	[sflag:s25] =	ssyncadd.s32 $0xFFFFDC00  }
0x1aa: {  	s0 =	rddreg [dreg:$0x8]  }
0x1ab: {  	[tilespmem:s29], [sflag:$0x3] =	stream.strided.gather [hbm4b:s0+s26], $0x480, s28, s26, $0x38;
	[tilespmem:$0x19600] =	vst v63  }
0x1ac: {  	_ =	swait.ge [sflag:s19], $0x480  }
0x1ad: {  	[sflag:s19] =	ssyncset.done $0x0  }
0x1ae: {  	s31 =	simm.s32 $0x188C0;
	[sflag:s19] =	ssyncadd.s32 $0xFFFFFB80  }
0x1af: {  	v2 =	vld [tilespmem:s31+$0x30]  }
0x1b0: {  	v3 =	vld [tilespmem:s31+$0xFFFFFFD0]  }
0x1b1: {  	v4 =	vld [tilespmem:s31+$0xFFFFFFE0]  }
0x1b2: {  	v5 =	vld [tilespmem:s31+$0xFFFFFFF0]  }
0x1b3: {  	v6 =	vld [tilespmem:s31+$0x0]  }
0x1b4: {  	v8 =	vld [tilespmem:s31+$0x10]  }
0x1b5: {  	v9 =	vld [tilespmem:s31+$0x20]  }
0x1b6: {  	v10 =	vld [tilespmem:s31+$0xFFFFFFC0]  }
0x1b7: {  	v11 =	vld.idx.msk [tilespmem:v2+s3+$0x0], $0xffff  }
0x1b8: {  	v12 =	vld.idx.msk [tilespmem:v3+s3+$0x0], $0xffff  }
0x1b9: {  	v7 =	vld.idx.msk [tilespmem:v4+s3+$0x0], $0xffff  }
0x1ba: {  	v5 =	vld.idx.msk [tilespmem:v5+s3+$0x0], $0xffff  }
0x1bb: {  	v2 =	vld.idx.msk [tilespmem:v6+s3+$0x0], $0xffff  }
0x1bc: {  	s0 =	simm.s32 $0x18D40;
	v3 =	vld.idx.msk [tilespmem:v8+s3+$0x0], $0xffff  }
0x1bd: {  	v4 =	vld.idx.msk [tilespmem:v9+s3+$0x0], $0xffff;
	[tilespmem:s0+$0x30] =	vst v11  }
0x1be: {  	s1 =	simm.s32 $0x0;
	s7 =	simm.s32 $0x18940;
	v6 =	vld.idx.msk [tilespmem:v10+s3+$0x0], $0xffff;
	[tilespmem:s0+$0xFFFFFFD0] =	vst v12  }
.LBB2_23:
0x1bf: {  	v8 =	vld [tilespmem:s7+$0x30];
	s1 =	sadd.s32 $0x8, s1;
	[tilespmem:s0+$0xFFFFFFE0] =	vst v7  }
0x1c0: {  	v7 =	vld [tilespmem:s7+$0xFFFFFFD0];
	p1 =	slt.u32 s1, $0x38;
	[tilespmem:s0+$0xFFFFFFF0] =	vst v5  }
0x1c1: {  	v5 =	vld [tilespmem:s7+$0xFFFFFFE0];
	[tilespmem:s0+$0x0] =	vst v2  }
0x1c2: {  	v2 =	vld [tilespmem:s7+$0xFFFFFFF0];
	[tilespmem:s0+$0x10] =	vst v3  }
0x1c3: {  	v3 =	vld [tilespmem:s7+$0x0];
	[tilespmem:s0+$0x20] =	vst v4  }
0x1c4: {  	v4 =	vld [tilespmem:s7+$0x10];
	[tilespmem:s0+$0xFFFFFFC0] =	vst v6  }
0x1c5: {  	v6 =	vld [tilespmem:s7+$0x20]  }
0x1c6: {  	v9 =	vld [tilespmem:s7+$0xFFFFFFC0]  }
0x1c7: {  	v8 =	vld.idx.msk [tilespmem:v8+s3+$0x0], $0xffff  }
0x1c8: {  	v10 =	vld.idx.msk [tilespmem:v7+s3+$0x0], $0xffff  }
0x1c9: {  	v7 =	vld.idx.msk [tilespmem:v5+s3+$0x0], $0xffff  }
.Ltmp13:
0x1ca: {  	v5 =	vld.idx.msk [tilespmem:v2+s3+$0x0], $0xffff;
	(pc) =	sbr.rel @p1 .LBB2_23-.Ltmp13, $4  }
0x1cb: {  	v2 =	vld.idx.msk [tilespmem:v3+s3+$0x0], $0xffff  }
0x1cc: {  	s0 =	sadd.s32 $0x80, s0;
	v3 =	vld.idx.msk [tilespmem:v4+s3+$0x0], $0xffff  }
0x1cd: {  	v4 =	vld.idx.msk [tilespmem:v6+s3+$0x0], $0xffff;
	[tilespmem:s0+$0x30] =	vst v8  }
0x1ce: {  	s7 =	sadd.s32 $0x80, s7;
	v6 =	vld.idx.msk [tilespmem:v9+s3+$0x0], $0xffff;
	[tilespmem:s0+$0xFFFFFFD0] =	vst v10  }
0x1cf: {  	[tilespmem:s0+$0xFFFFFFE0] =	vst v7  }
0x1d0: {  	[tilespmem:s0+$0xFFFFFFF0] =	vst v5  }
0x1d1: {  	[tilespmem:s0+$0x0] =	vst v2  }
0x1d2: {  	[tilespmem:s0+$0x10] =	vst v3  }
0x1d3: {  	[tilespmem:s0+$0x20] =	vst v4  }
0x1d4: {  	[tilespmem:s0+$0xFFFFFFC0] =	vst v6  }
0x1d5: {  	v2 =	vld.idx.msk [tilespmem:v1+s29+$0x0], $0x1;
	_ =	sdelay $0x7  }
0x1d6: {  	v2 =	vld.idx.msk [tilespmem:v2+s3+$0x0], $0x1;
	_ =	sdelay $0x3  }
0x1d7: {  	s1 =	simm.s32 $0x18D00  }
0x1d8: {  	s31 =	simm.s32 $0x188C0;
	s0 =	rddreg [dreg:$0x9];
	[tilespmem:v1+s1+$0x0] =	vst.idx.msk $0x1, v2  }
0x1d9: {  	[hbm4b:s0+s26] =	stream.strided.scatter [tilespmem:s1], [sflag:$0x2], $0x480, s28, s26, $0x38;
	[tilespmem:$0x19600] =	vst v63  }
0x1da: {  	v2 =	vld [tilespmem:s31+$0x30]  }
0x1db: {  	v3 =	vld [tilespmem:s31+$0xFFFFFFD0]  }
0x1dc: {  	v4 =	vld [tilespmem:s31+$0xFFFFFFE0]  }
0x1dd: {  	v5 =	vld [tilespmem:s31+$0xFFFFFFF0]  }
0x1de: {  	v6 =	vld [tilespmem:s31+$0x0]  }
0x1df: {  	v7 =	vld [tilespmem:s31+$0x10];
	v2 =	vadd.s32 $0xF84, v2  }
0x1e0: {  	v3 =	vadd.s32 $0xF84, v3  }
0x1e1: {  	v4 =	vadd.s32 $0xF84, v4  }
0x1e2: {  	v8 =	vld [tilespmem:s31+$0x20];
	v5 =	vadd.s32 $0xF84, v5  }
0x1e3: {  	v10 =	vld [tilespmem:s31+$0xFFFFFFC0];
	v11 =	vadd.s32 $0xF84, v6  }
0x1e4: {  	v12 =	vadd.s32 $0xF84, v7;
	v9 =	vld.idx.msk [tilespmem:v2+s3+$0x0], $0xffff  }
0x1e5: {  	v6 =	vld.idx.msk [tilespmem:v3+s3+$0x0], $0xffff  }
0x1e6: {  	v7 =	vld.idx.msk [tilespmem:v4+s3+$0x0], $0xffff  }
0x1e7: {  	v5 =	vld.idx.msk [tilespmem:v5+s3+$0x0], $0xffff  }
0x1e8: {  	v4 =	vld.idx.msk [tilespmem:v11+s3+$0x0], $0xffff  }
0x1e9: {  	s7 =	simm.s32 $0x18940;
	s0 =	simm.s32 $0x191F0;
	s1 =	simm.s32 $0x0;
	v2 =	vadd.s32 $0xF84, v8;
	v3 =	vadd.s32 $0xF84, v10;
	v8 =	vld.idx.msk [tilespmem:v12+s3+$0x0], $0xffff  }
.LBB2_25:
0x1ea: {  	v10 =	vld [tilespmem:s7+$0x30];
	s1 =	sadd.s32 $0x8, s1;
	[tilespmem:s0+$0x0] =	vst v9  }
0x1eb: {  	v9 =	vld [tilespmem:s7+$0xFFFFFFD0];
	p1 =	slt.u32 s1, $0x38;
	[tilespmem:s0+$0xFFFFFFA0] =	vst v6  }
0x1ec: {  	v6 =	vld [tilespmem:s7+$0xFFFFFFE0];
	[tilespmem:s0+$0xFFFFFFB0] =	vst v7  }
0x1ed: {  	v7 =	vld [tilespmem:s7+$0xFFFFFFF0];
	[tilespmem:s0+$0xFFFFFFC0] =	vst v5  }
0x1ee: {  	v5 =	vld [tilespmem:s7+$0x0];
	[tilespmem:s0+$0xFFFFFFD0] =	vst v4  }
0x1ef: {  	v4 =	vld [tilespmem:s7+$0x10];
	v10 =	vadd.s32 $0xF84, v10;
	[tilespmem:s0+$0xFFFFFFE0] =	vst v8  }
0x1f0: {  	v8 =	vadd.s32 $0xF84, v9;
	v11 =	vld [tilespmem:s7+$0x20]  }
0x1f1: {  	v12 =	vld [tilespmem:s7+$0xFFFFFFC0];
	v13 =	vadd.s32 $0xF84, v6  }
0x1f2: {  	v14 =	vadd.s32 $0xF84, v7;
	v15 =	vld.idx.msk [tilespmem:v3+s3+$0x0], $0xffff  }
0x1f3: {  	v16 =	vadd.s32 $0xF84, v5;
	v17 =	vld.idx.msk [tilespmem:v2+s3+$0x0], $0xffff  }
0x1f4: {  	v18 =	vadd.s32 $0xF84, v4;
	v9 =	vld.idx.msk [tilespmem:v10+s3+$0x0], $0xffff  }
.Ltmp14:
0x1f5: {  	v6 =	vld.idx.msk [tilespmem:v8+s3+$0x0], $0xffff;
	v2 =	vadd.s32 $0xF84, v11;
	(pc) =	sbr.rel @p1 .LBB2_25-.Ltmp14, $4  }
0x1f6: {  	v3 =	vadd.s32 $0xF84, v12;
	v7 =	vld.idx.msk [tilespmem:v13+s3+$0x0], $0xffff  }
0x1f7: {  	v5 =	vld.idx.msk [tilespmem:v14+s3+$0x0], $0xffff  }
0x1f8: {  	v4 =	vld.idx.msk [tilespmem:v16+s3+$0x0], $0xffff;
	[tilespmem:s0+$0xFFFFFF90] =	vst v15  }
0x1f9: {  	s7 =	sadd.s32 $0x80, s7;
	v8 =	vld.idx.msk [tilespmem:v18+s3+$0x0], $0xffff;
	[tilespmem:s0+$0xFFFFFFF0] =	vst v17;
	s0 =	sadd.s32 $0x80, s0  }
0x1fa: {  	_ =	sdelay $0x2  }
0x1fb: {  	[tilespmem:s0+$0x0] =	vst v9  }
0x1fc: {  	[tilespmem:s0+$0xFFFFFFA0] =	vst v6;
	v3 =	vld.idx.msk [tilespmem:v3+s3+$0x0], $0xffff  }
0x1fd: {  	v2 =	vld.idx.msk [tilespmem:v2+s3+$0x0], $0xffff;
	[tilespmem:s0+$0xFFFFFFB0] =	vst v7  }
0x1fe: {  	[tilespmem:s0+$0xFFFFFFC0] =	vst v5  }
0x1ff: {  	[tilespmem:s0+$0xFFFFFFD0] =	vst v4  }
0x200: {  	[tilespmem:s0+$0xFFFFFFE0] =	vst v8  }
0x201: {  	[tilespmem:s0+$0xFFFFFF90] =	vst v3  }
0x202: {  	[tilespmem:s0+$0xFFFFFFF0] =	vst v2  }
0x203: {  	v2 =	vld.idx.msk [tilespmem:v1+s29+$0x0], $0x1;
	_ =	sdelay $0x4  }
0x204: {  	v2 =	vadd.s32 $0xF84, v2;
	_ =	sdelay $0x4  }
0x205: {  	v2 =	vld.idx.msk [tilespmem:v2+s3+$0x0], $0x1;
	_ =	sdelay $0x3  }
0x206: {  	s1 =	simm.s32 $0x19180  }
0x207: {  	s0 =	rddreg [dreg:$0xa];
	[tilespmem:v1+s1+$0x0] =	vst.idx.msk $0x1, v2  }
0x208: {  	[hbm4b:s0+s26] =	stream.strided.scatter [tilespmem:s1], [sflag:$0x2], $0x480, s28, s26, $0x38;
	[tilespmem:$0x19600] =	vst v63  }
0x209: {  	s0 =	simm.s32 $0x2  }
.LBB2_27:
0x20a: {  	_ =	swait.ge [sflag:s25], $0x480  }
0x20b: {  	[sflag:s25] =	ssyncset.done $0x0  }
0x20c: {  	s1 =	simm.s32 $0x188C0;
	[sflag:s25] =	ssyncadd.s32 $0xFFFFFB80  }
0x20d: {  	v3 =	vld [tilespmem:s1+$0x30]  }
0x20e: {  	v4 =	vld [tilespmem:s1+$0xFFFFFFD0]  }
0x20f: {  	s7 =	smul.u32 $0xF84, s0;
	v5 =	vld [tilespmem:s1+$0xFFFFFFE0]  }
0x210: {  	v6 =	vld [tilespmem:s1+$0xFFFFFFF0]  }
0x211: {  	v2 =	vmov s7;
	v7 =	vld [tilespmem:s1+$0x0]  }
0x212: {  	v8 =	vld [tilespmem:s1+$0x10];
	v3 =	vadd.s32 v2, v3  }
0x213: {  	v4 =	vadd.s32 v2, v4  }
0x214: {  	v9 =	vadd.s32 v2, v5  }
0x215: {  	v10 =	vld [tilespmem:s1+$0x20];
	v11 =	vadd.s32 v2, v6  }
0x216: {  	v12 =	vld [tilespmem:s1+$0xFFFFFFC0];
	v13 =	vadd.s32 v2, v7  }
0x217: {  	v14 =	vadd.s32 v2, v8;
	v6 =	vld.idx.msk [tilespmem:v3+s3+$0x0], $0xffff  }
0x218: {  	v5 =	vld.idx.msk [tilespmem:v4+s3+$0x0], $0xffff  }
0x219: {  	s31 =	sand.u32 $0x1, s0;
	v9 =	vld.idx.msk [tilespmem:v9+s3+$0x0], $0xffff  }
0x21a: {  	p1 =	seq.s32 s31, $0x1;
	s7 =	simm.s32 $0x480;
	v7 =	vld.idx.msk [tilespmem:v11+s3+$0x0], $0xffff  }
0x21b: {  	s8 =	simm.s32 $0x18940;
	s7 =	simm.s32 @!p1 $0x0;
	v8 =	vld.idx.msk [tilespmem:v13+s3+$0x0], $0xffff  }
0x21c: {  	s1 =	sadd.s32 $0x18D00, s7;
	s15 =	sadd.s32 $0x18D40, s7;
	s7 =	simm.s32 $0x0;
	v3 =	vadd.s32 v2, v10;
	v4 =	vadd.s32 v2, v12;
	v10 =	vld.idx.msk [tilespmem:v14+s3+$0x0], $0xffff  }
.LBB2_28:
0x21d: {  	v11 =	vld [tilespmem:s8+$0x30];
	s7 =	sadd.s32 $0x8, s7;
	[tilespmem:s15+$0x30] =	vst v6  }
0x21e: {  	v6 =	vld [tilespmem:s8+$0xFFFFFFD0];
	p1 =	slt.u32 s7, $0x38;
	[tilespmem:s15+$0xFFFFFFD0] =	vst v5  }
0x21f: {  	v5 =	vld [tilespmem:s8+$0xFFFFFFE0];
	[tilespmem:s15+$0xFFFFFFE0] =	vst v9  }
0x220: {  	v9 =	vld [tilespmem:s8+$0xFFFFFFF0];
	[tilespmem:s15+$0xFFFFFFF0] =	vst v7  }
0x221: {  	v7 =	vld [tilespmem:s8+$0x0];
	[tilespmem:s15+$0x0] =	vst v8  }
0x222: {  	v8 =	vld [tilespmem:s8+$0x10];
	v11 =	vadd.s32 v2, v11;
	[tilespmem:s15+$0x10] =	vst v10  }
0x223: {  	v10 =	vadd.s32 v2, v6;
	v12 =	vld [tilespmem:s8+$0x20]  }
0x224: {  	v13 =	vld [tilespmem:s8+$0xFFFFFFC0];
	v14 =	vadd.s32 v2, v5  }
0x225: {  	v15 =	vadd.s32 v2, v9;
	v16 =	vld.idx.msk [tilespmem:v4+s3+$0x0], $0xffff  }
0x226: {  	v17 =	vadd.s32 v2, v7;
	v18 =	vld.idx.msk [tilespmem:v3+s3+$0x0], $0xffff  }
0x227: {  	v19 =	vadd.s32 v2, v8;
	v6 =	vld.idx.msk [tilespmem:v11+s3+$0x0], $0xffff  }
.Ltmp15:
0x228: {  	v5 =	vld.idx.msk [tilespmem:v10+s3+$0x0], $0xffff;
	v3 =	vadd.s32 v2, v12;
	(pc) =	sbr.rel @p1 .LBB2_28-.Ltmp15, $4  }
0x229: {  	v4 =	vadd.s32 v2, v13;
	v9 =	vld.idx.msk [tilespmem:v14+s3+$0x0], $0xffff  }
0x22a: {  	v7 =	vld.idx.msk [tilespmem:v15+s3+$0x0], $0xffff  }
0x22b: {  	v8 =	vld.idx.msk [tilespmem:v17+s3+$0x0], $0xffff;
	[tilespmem:s15+$0xFFFFFFC0] =	vst v16  }
0x22c: {  	s8 =	sadd.s32 $0x80, s8;
	v10 =	vld.idx.msk [tilespmem:v19+s3+$0x0], $0xffff;
	[tilespmem:s15+$0x20] =	vst v18;
	s15 =	sadd.s32 $0x80, s15  }
0x22d: {  	_ =	sdelay $0x2  }
0x22e: {  	[tilespmem:s15+$0x30] =	vst v6  }
0x22f: {  	[tilespmem:s15+$0xFFFFFFD0] =	vst v5;
	v4 =	vld.idx.msk [tilespmem:v4+s3+$0x0], $0xffff  }
0x230: {  	v3 =	vld.idx.msk [tilespmem:v3+s3+$0x0], $0xffff;
	[tilespmem:s15+$0xFFFFFFE0] =	vst v9  }
0x231: {  	[tilespmem:s15+$0xFFFFFFF0] =	vst v7  }
0x232: {  	[tilespmem:s15+$0x0] =	vst v8  }
0x233: {  	[tilespmem:s15+$0x10] =	vst v10  }
0x234: {  	[tilespmem:s15+$0xFFFFFFC0] =	vst v4  }
0x235: {  	[tilespmem:s15+$0x20] =	vst v3  }
0x236: {  	v3 =	vld.idx.msk [tilespmem:v1+s29+$0x0], $0x1;
	_ =	sdelay $0x4  }
0x237: {  	v2 =	vadd.s32 v2, v3;
	_ =	sdelay $0x4  }
0x238: {  	s7 =	smul.u32 $0x122400, s0;
	s0 =	sadd.s32 $0x1, s0;
	v2 =	vld.idx.msk [tilespmem:v2+s3+$0x0], $0x1  }
0x239: {  	p1 =	sne.s32 s0, $0x10  }
.Ltmp16:
0x23a: {  	_ = 	snop;
	(pc) =	sbr.rel @p1 .LBB2_27-.Ltmp16, $4  }
0x23b: {  	s7 =	sshrl.u32 s7, $0x3  }
0x23c: {  	s7 =	sadd.s32 s5, s7  }
0x23d: {  	s7 =	sadd.s32 $0x24000, s7;
	[tilespmem:v1+s1+$0x0] =	vst.idx.msk $0x1, v2  }
0x23e: {  	[hbm4b:s7+s26] =	stream.strided.scatter [tilespmem:s1], [sflag:$0x2], $0x480, s28, s26, $0x38;
	[tilespmem:$0x19600] =	vst v63  }
0x23f: {  	_ =	swait.ge [sflag:s25], $0x480  }
.Ltmp17:
0x240: {  	[sflag:s25] =	ssyncset.done $0x0;
	(pc) =	sbr.rel .LBB2_31-.Ltmp17, $4  }
0x241: {  	[sflag:s25] =	ssyncadd.s32 $0xFFFFFB80  }
0x242: {  	_ =	swait.ge [sflag:s25], $0x480  }
0x243: {  	[sflag:s25] =	ssyncset.done $0x0  }
0x244: {  	[sflag:s25] =	ssyncadd.s32 $0xFFFFFB80  }
.LBB2_32:
0x245: {  	_ =	sfence.sel $0x180000  }
0x246: {  	[bflag:$0x0] =	sbarrier.arrive $0xFFFF  }
0x247: {  	_ =	strace $0x90000047  }
0x248: {  	s0 =	stileid.u32;
	[bflag:$0x2] =	sbarrier.arrive $0xFFFF  }
0x249: {  	p0 =	sne.s32 s0, $0x0;
	s0 =	rddreg [dreg:$0x3]  }
0x24a: {  	s0 =	sadd.s32 @!p0 $0x100000, s0  }
0x24b: {  	[sflag:s0] =	ssyncadd.tile.s32 @!p0 $0x1;
	_ =	shalt  }
.Lfunc_end2:
_tile_overlayer_lowered:
.L_overlay_start_2:
0x24c: {  	(tag) =	ssettag $0x2  }
0x24d: {  	s0 =	rddreg [dreg:$0x0];
	s2 =	stileid.u32  }
0x24e: {  	s1 =	rddreg [dreg:$0x1];
	p0 =	sne.s32 s2, $0x0  }
0x24f: {  	s3 =	rddreg [dreg:$0x2];
	[bflag:$0x3] =	sbarrier.arrive $0xFFFF;
	s2 =	simm.s32 @!p0 $0x1C03  }
0x250: {  	[timem:s3], [sflag:s2] =	dma.local @!p0 [hbm:s0], s1  }
0x251: {  	s0 =	simm.s32 @!p0 $0x3  }
0x252: {  	_ =	swait.ge @!p0 [sflag:s0], s1  }
0x253: {  	s1 =	ssub.s32 @!p0 $0x0, s1;
	[sflag:s0] =	ssyncset.done @!p0 $0x0  }
0x254: {  	[sflag:s0] =	ssyncadd.s32 @!p0 s1  }
0x255: {  	[bflag:$0x3] =	sbarrier.arrive $0xFFFF  }
0x256: {  	_ =	shalt  }

// kernel: sparse-core-data-format-call.cloned.1.call-start
scs
called_computation_lowered:
.L_overlay_start_0:
0x0: {  	s2 =	sld [smem:$0x3FD9]  }
0x1: {  	s3 =	sld [smem:$0x3FFE];
	_ =	sdelay $0x1  }
0x2: {  	s1 =	srdreg.scid  }
0x3: {  	s0 =	sand.u32 $0x1, s1  }
0x4: {  	s18 =	sshll.u32 s0, $0xA;
	s2 =	sadd.s32 s3, s2  }
0x5: {  	s2 =	sadd.s32 s2, s18  }
0x6: {  	[smem:$0x3FC6] =	sst s2  }
0x7: {  	_ = 	snop  }
0x8: {  	s2 =	sld [smem:$0x3FD0];
	(tm) =	ssettm $0x1  }
0x9: {  	s19 =	sld [smem:$0x3FFB];
	_ =	sdelay $0x3  }
0xa: {  	_ =	strace s19  }
0xb: {  	s3 =	sld [smem:$0x3FFC];
	_ =	sdelay $0x3  }
0xc: {  	_ =	strace s3  }
0xd: {  	s3 =	sld [smem:$0x3FFD];
	_ =	sdelay $0x3  }
0xe: {  	_ =	strace s3  }
0xf: {  	_ =	strace $0x8FFFFFFF  }
0x10: {  	s20 =	sld [smem:$0x3FDB];
	_ =	sdelay $0x1  }
0x11: {  	s4 =	simm.s32 $_scs_section_size  }
0x12: {  	s5 =	simm.s32 $_size__tile_overlayer_lowered;
	s6 =	simm.s32 $_tile_overlayer_lowered  }
0x13: {  	s23 =	simm.s32 $0x1BFF;
	s22 =	sshll.u32 s6, $0x1;
	s3 =	sadd.s32 s4, s20  }
0x14: {  	s7 =	simm.s32 $0x0;
	s21 =	sshll.u32 s5, $0x1;
	s5 =	sadd.s32 s22, s3  }
0x15: {  	[timem:s7], [sflag:s23] =	dma.local [hbm:s5], s21  }
0x16: {  	_ =	swait.ge [sflag:s23], s21  }
0x17: {  	s4 =	ssub.s32 $0x0, s21;
	[sflag:s23] =	ssyncset.done $0x0  }
0x18: {  	[sflag:s23] =	ssyncadd.s32 s4;
	_ =	sdelay $0x1  }
0x19: {  	s24 =	simm.s32 $0x1B8B  }
0x1a: {  	_ =	swait.ge [sflag:s24], $0x1  }
0x1b: {  	[sflag:s24] =	ssyncset.done $0x0  }
0x1c: {  	s26 =	simm.s32 $0x1B8E;
	s25 =	sld [smem:$0x3FFE];
	[sflag:s24] =	ssyncadd.s32 $0xFFFFFFFF  }
0x1d: {  	s27 =	simm.s32 $execute0_lowered;
	[smem:$0x3FD2] =	sst s26  }
0x1e: {  	s5 =	sshll.u32 s27, $0x1;
	_ =	strace $0x80000049;
	[dreg:$0x1] =	wrdreg $0xFFFFFFFF  }
0x1f: {  	s28 =	simm.s32 $_size_execute0_lowered;
	s3 =	sadd.s32 s3, s5;
	[dreg:$0x0] =	wrdreg $0x0  }
0x20: {  	s5 =	sshll.u32 s28, $0x1;
	[dreg:$0x2] =	wrdreg s3  }
0x21: {  	[dreg:$0x3] =	wrdreg s5  }
0x22: {  	[dreg:$0x4] =	wrdreg $0xC0  }
0x23: {  	_ =	task [dreg:s7], $0x5FFFF  }
0x24: {  	[dreg:$0x1] =	wrdreg $0xFFFFFFFF  }
0x25: {  	[dreg:$0x0] =	wrdreg $0x60  }
0x26: {  	[dreg:$0x2] =	wrdreg s25  }
0x27: {  	[dreg:$0x3] =	wrdreg s2  }
0x28: {  	[dreg:$0x4] =	wrdreg $0x9  }
0x29: {  	_ =	task.clear_ibuf [dreg:s7], $0x5FFFF;
	_ =	strace $0x90000049  }
0x2a: {  	s29 =	simm.s32 $0x9;
	_ =	strace $0x8000004B  }
0x2b: {  	_ =	swait.ge [sflag:s29], $0x1  }
0x2c: {  	[sflag:s29] =	ssyncadd.s32 $0xFFFFFFFF  }
0x2d: {  	_ =	strace $0x9000004B  }
0x2e: {  	_ =	sfence  }
0x2f: {  	s30 =	sld [smem:$0x0];
	_ =	sdelay $0x2  }
0x30: {  	s31 =	sshll.u32 s1, $0xD;
	s1 =	sshrl.u32 s1, $0x2  }
0x31: {  	s3 =	sand.u32 $0x4000, s31;
	s1 =	sadd.s32 s1, s30  }
0x32: {  	s0 =	sor.u32 s3, s0;
	s1 =	sshll.u32 s1, $0x11  }
0x33: {  	s0 =	sor.u32 s1, s0  }
0x34: {  	s0 =	sadd.s32 $0x8F2B, s0  }
0x35: {  	[sflag:s0] =	ssyncadd.remote.s32 $0x1  }
0x36: {  	_ =	sfence.sel $0xFFFF  }
0x37: {  	[dreg:$0x0] =	wrdreg $0xFFFFFFFF;
	(pc) =	sbr.abs _section_cstart, $3  }
0x38: {  	[dreg:$0x1] =	wrdreg $0xFFFFFFFF  }
0x39: {  	_ =	task.clear_ibuf [dreg:s7], $0x2FFFF;
	_ =	strace $0x9FFFFFFF  }
0x3a: {  	(tm) =	ssettm $0x7FFFFFFF  }
0x3b: {  	_ =	shalt  }
tec
execute0_lowered:
.L_overlay_start_1:
0x0: {  	(tag) =	ssettag $0x1  }
0x1: {  	s5 =	rddreg [dreg:$0x0]  }
0x2: {  	s0 =	srdreg.scid;
	s3 =	rddreg [dreg:$0x1]  }
0x3: {  	s31 =	simm.s32 $0x2;
	s17 =	simm.s32 $0x0;
	s8 =	simm.s32 $0x2400  }
0x4: {  	s9 =	simm.s32 $0x0;
	s19 =	simm.s32 $0x0;
	s1 =	sshll.u32 s0, $0x4  }
0x5: {  	s18 =	simm.s32 $0x0;
	s0 =	stileid.u32;
	s1 =	sand.u32 $0x10, s1  }
0x6: {  	s10 =	simm.s32 $0x0;
	s11 =	simm.s32 $0x0;
	s1 =	sor.u32 s0, s1  }
0x7: {  	s12 =	simm.s32 $0x0;
	s13 =	simm.s32 $0x0;
	s2 =	sshll.u32 s1, $0x3  }
.Ltmp0:
0x8: {  	s15 =	simm.s32 $0x0;
	s4 =	ssub.s32 $0x400, s2;
	(pc) =	sbr.rel .LBB1_1-.Ltmp0, $4  }
0x9: {  	s16 =	simm.s32 $0x0;
	s1 =	rddreg [dreg:$0x2];
	s6 =	sshrl.u32 s4, $0x8  }
0xa: {  	_ =	strace $0x8000004A;
	s4 =	simm.s32 $0x1;
	s7 =	smul.u32 $0x9, s6  }
0xb: {  	s5 =	sadd.s32 $0x800, s5;
	s14 =	smov.u32 s2;
	[sflag:s4] =	ssyncpa.u1 $0x0  }
0xc: {  	[sflag:s31] =	ssyncpa.u1 $0x0;
	s6 =	sadd.s32 $0x9, s7;
	s7 =	sadd.s32 $0xA, s7  }
.LBB1_7:
0xd: {  	p0 =	slt.u32 s16, $0x2  }
0xe: {  	p1 =	sgt.s32 @!p0 s19, $0x3F9  }
0xf: {  	s20 =	smov.u32 s19;
	s21 =	sshra.s32 @!p0 s19, $0x1F;
	p1 =	por !p1, p0  }
0x10: {  	s19 =	sand.u32 @!p0 s21, s19;
	s20 =	simm.s32 @p1 $0x3F9  }
0x11: {  	p2 =	sgt.s32 @!p0 s17, $0x400;
	s19 =	ssub.s32 @!p0 s20, s19  }
0x12: {  	p2 =	por !p2, p0;
	s21 =	sshra.s32 @!p0 s17, $0x1F;
	s20 =	sadd.s32 @!p0 $0xFFFFFC07, s19  }
0x13: {  	s19 =	ssub.s32 @!p0 $0x401, s19;
	p1 =	sgt.s32 @!p0 s20, $0x7;
	s20 =	ssub.s32 @!p0 $0x0, s18  }
0x14: {  	p1 =	por !p1, p0;
	s18 =	smin.u32 @!p0 s18, s20;
	s20 =	smov.u32 s17  }
0x15: {  	s17 =	sand.u32 @!p0 s21, s17;
	s21 =	smov.u32 s14;
	s20 =	simm.s32 @p2 $0x400  }
0x16: {  	p2 =	sgt.s32 @!p0 s18, $0xF;
	s18 =	ssub.s32 @!p0 $0x10, s18;
	s17 =	ssub.s32 @!p0 s20, s17  }
0x17: {  	s19 =	simm.s32 @!p1 $0x0;
	p2 =	por !p2, p0;
	s20 =	sadd.s32 @!p0 $0xFFFFFC00, s17  }
0x18: {  	s18 =	simm.s32 @!p2 $0x0;
	s17 =	ssub.s32 @!p0 $0x480, s17;
	p1 =	sgt.s32 @!p0 s20, $0x7F  }
0x19: {  	s18 =	smul.u32 @!p0 s18, s19;
	s20 =	sadd.s32 $0x80, s13;
	p1 =	por !p1, p0  }
0x1a: {  	s19 =	sadd.s32 $0x100, s14;
	s17 =	simm.s32 @!p1 $0x0;
	p1 =	sgt.s32 s20, $0x400  }
0x1b: {  	s22 =	smov.u32 s15;
	s21 =	smov.u32 @p1 s19  }
0x1c: {  	s17 =	smul.u32 @!p0 s17, s18;
	s18 =	sadd.s32 $0x10, s15;
	p2 =	sgt.s32 s21, $0x400  }
0x1d: {  	s9 =	sadd.s32 $0x4000, s9;
	s23 =	simm.s32 @!p0 $0x2;
	s22 =	smov.u32 @p2 s18  }
0x1e: {  	s20 =	simm.s32 @p1 $0x0;
	s19 =	smov.u32 s11;
	p1 =	sgt.s32 s22, $0xF  }
0x1f: {  	s11 =	smov.u32 s14;
	s22 =	simm.s32 @p1 $0x0;
	p1 =	sne.s32 s16, s7  }
.Ltmp1:
0x20: {  	s17 =	sand.u32 @!p0 $0x3FFFFFFF, s17;
	s21 =	smov.u32 @p2 s2;
	(pc) =	sbr.rel @!p1 .LBB1_8-.Ltmp1, $4  }
0x21: {  	s18 =	smov.u32 s12;
	s12 =	smov.u32 s15;
	_ =	swait.ge @!p0 [sflag:s23], s17  }
0x22: {  	s24 =	ssub.s32 @!p0 $0x0, s17;
	s17 =	smov.u32 s10;
	s10 =	smov.u32 s13  }
0x23: {  	s13 =	smov.u32 s20;
	s14 =	smov.u32 s21;
	[sflag:s23] =	ssyncset.done @!p0 $0x0  }
0x24: {  	s16 =	sadd.s32 $0x1, s16;
	[sflag:s23] =	ssyncadd.s32 @!p0 s24;
	s15 =	smov.u32 s22  }
.LBB1_1:
0x25: {  	p0 =	sge.u32 s16, s6  }
0x26: {  	s20 =	sshrl.u32 @!p0 s14, $0x3  }
0x27: {  	s21 =	sshll.u32 @!p0 s13, $0x3;
	s20 =	smul.u32 @!p0 $0x2400, s20  }
0x28: {  	s22 =	sshll.u32 @!p0 s14, $0x7;
	s21 =	sand.u32 @!p0 $0xFFFFFC00, s21  }
0x29: {  	s20 =	sadd.s32 @!p0 s20, s21;
	s21 =	sand.u32 @!p0 $0x380, s22  }
0x2a: {  	s20 =	sor.u32 @!p0 s21, s20  }
0x2b: {  	s21 =	sand.u32 @!p0 $0x7F, s13;
	s22 =	smulhi.u32 @!p0 $0x38E38E39, s20  }
0x2c: {  	s20 =	sor.u32 @!p0 s21, s20  }
0x2d: {  	s21 =	smulhi.u32 @!p0 $0x38E38E39, s20;
	s22 =	sshrl.u32 @!p0 s22, $0x8  }
0x2e: {  	s23 =	smulhi.u32 @!p0 $0x3F80FF, s22;
	_ =	sdelay $0x1  }
0x2f: {  	s21 =	sshrl.u32 @!p0 s21, $0x8;
	s23 =	smul.u32 @!p0 $0x408, s23  }
0x30: {  	s21 =	smul.u32 @!p0 $0x480, s21  }
0x31: {  	s24 =	sxor.u32 @!p0 $0xFFFFFFFF, s16;
	s22 =	ssub.s32 @!p0 s22, s23;
	s23 =	smul.u32 @!p0 $0x24480, s15  }
0x32: {  	s24 =	sshll.u32 @!p0 s24, $0xE;
	s20 =	ssub.s32 @!p0 s20, s21;
	s21 =	smul.u32 @!p0 $0x90, s22  }
0x33: {  	s22 =	sand.u32 @!p0 $0x4000, s24;
	s24 =	sand.u32 @!p0 $0x7, s20;
	s23 =	sadd.s32 @!p0 s5, s23  }
0x34: {  	s20 =	sshrl.u32 @!p0 s20, $0x3;
	s21 =	sadd.s32 @!p0 s21, s23;
	s23 =	sshll.u32 @!p0 s24, $0x12  }
0x35: {  	s20 =	sadd.s32 @!p0 s20, s21;
	s21 =	sor.u32 @!p0 $0x400, s23;
	s23 =	simm.s32 @!p0 $0x122400  }
0x36: {  	[tilespmem:s22], [sflag:$0x1] =	stream.strided.gather @!p0 [hbm4b:s20+s21], $0x4000, s23, s21, $0x38;
	[tilespmem:$0x10000] =	vst v63  }
0x37: {  	p0 =	seq.s32 s16, $0x0  }
0x38: {  	p1 =	sge.u32 @!p0 s16, s7  }
0x39: {  	p0 =	por p0, p1  }
.Ltmp2:
0x3a: {  	_ = 	snop;
	(pc) =	sbr.rel @p0 .LBB1_7-.Ltmp2, $1  }
0x3b: {  	_ =	sdelay $0x3  }
0x3c: {  	s20 =	sand.u32 $0x4000, s9  }
0x3d: {  	_ =	swait.ge [sflag:s4], $0x4000;
	s23 =	sshll.u32 s16, $0xE;
	s21 =	sor.u32 $0x8040, s20  }
0x3e: {  	s22 =	sor.u32 $0x40, s20;
	[sflag:s4] =	ssyncset.done $0x0;
	s31 =	sand.u32 $0x4000, s23  }
0x3f: {  	s23 =	simm.s32 $0x0;
	[sflag:s4] =	ssyncadd.s32 $0xFFFFC000;
	s20 =	sor.u32 $0x8000, s31  }
.LBB1_3:
0x40: {  	v0 =	vmov s22;
	_ =	sdelay $0x3  }
0x41: {  	s25 =	simm.s32 $0x0  }
0x42: {  	v6 =	vld.idx.msk [tilespmem:v0+s25+$0x30 ss:$0x1], $0xffff  }
0x43: {  	v7 =	vld.idx.msk [tilespmem:v0+s25+$0xFFFFFFC0 ss:$0x1], $0xffff  }
0x44: {  	v5 =	vld.idx.msk [tilespmem:v0+s25+$0xFFFFFFD0 ss:$0x1], $0xffff  }
0x45: {  	v4 =	vld.idx.msk [tilespmem:v0+s25+$0xFFFFFFE0 ss:$0x1], $0xffff  }
0x46: {  	v3 =	vld.idx.msk [tilespmem:v0+s25+$0xFFFFFFF0 ss:$0x1], $0xffff  }
0x47: {  	v1 =	vld.idx.msk [tilespmem:v0+s25+$0x0 ss:$0x1], $0xffff  }
0x48: {  	v2 =	vld.idx.msk [tilespmem:v0+s25+$0x10 ss:$0x1], $0xffff;
	[tilespmem:s21+$0x30] =	vst v6  }
0x49: {  	s24 =	simm.s32 $0x80;
	s26 =	simm.s32 $0x400;
	[tilespmem:s21+$0xFFFFFFC0] =	vst v7;
	v6 =	vld.idx.msk [tilespmem:v0+s25+$0x20 ss:$0x1], $0xffff;
	s25 =	smov.u32 s21  }
.LBB1_4:
0x4a: {  	p0 =	sne.s32 s26, $0xE00;
	v7 =	vld.idx.msk [tilespmem:v0+s24+$0x30 ss:$0x1], $0xffff;
	[tilespmem:s25+$0xFFFFFFD0] =	vst v5  }
0x4b: {  	v8 =	vld.idx.msk [tilespmem:v0+s24+$0xFFFFFFC0 ss:$0x1], $0xffff;
	[tilespmem:s25+$0xFFFFFFE0] =	vst v4  }
0x4c: {  	v5 =	vld.idx.msk [tilespmem:v0+s24+$0xFFFFFFD0 ss:$0x1], $0xffff;
	[tilespmem:s25+$0xFFFFFFF0] =	vst v3  }
.Ltmp3:
0x4d: {  	v4 =	vld.idx.msk [tilespmem:v0+s24+$0xFFFFFFE0 ss:$0x1], $0xffff;
	[tilespmem:s25+$0x0] =	vst v1;
	(pc) =	sbr.rel @p0 .LBB1_4-.Ltmp3, $4  }
0x4e: {  	v3 =	vld.idx.msk [tilespmem:v0+s24+$0xFFFFFFF0 ss:$0x1], $0xffff;
	[tilespmem:s25+$0x10] =	vst v2  }
0x4f: {  	v1 =	vld.idx.msk [tilespmem:v0+s24+$0x0 ss:$0x1], $0xffff;
	[tilespmem:s25+$0x20] =	vst v6;
	s25 =	sadd.s32 $0x800, s25  }
0x50: {  	v2 =	vld.idx.msk [tilespmem:v0+s24+$0x10 ss:$0x1], $0xffff;
	[tilespmem:s25+$0x30] =	vst v7  }
0x51: {  	[tilespmem:s25+$0xFFFFFFC0] =	vst v8;
	v6 =	vld.idx.msk [tilespmem:v0+s24+$0x20 ss:$0x1], $0xffff;
	s24 =	sshra.s32 s26, $0x2;
	s26 =	sadd.s32 $0x200, s26  }
0x52: {  	_ =	sdelay $0x2  }
0x53: {  	[tilespmem:s25+$0xFFFFFFD0] =	vst v5  }
0x54: {  	v56 =	vld.idx.msk [tilespmem:v0+s24+$0x30 ss:$0x1], $0xffff;
	[tilespmem:s25+$0xFFFFFFE0] =	vst v4  }
0x55: {  	v57 =	vld.idx.msk [tilespmem:v0+s24+$0xFFFFFFC0 ss:$0x1], $0xffff;
	[tilespmem:s25+$0xFFFFFFF0] =	vst v3  }
0x56: {  	v58 =	vld.idx.msk [tilespmem:v0+s24+$0xFFFFFFD0 ss:$0x1], $0xffff;
	[tilespmem:s25+$0x0] =	vst v1  }
0x57: {  	v59 =	vld.idx.msk [tilespmem:v0+s24+$0xFFFFFFE0 ss:$0x1], $0xffff;
	[tilespmem:s25+$0x10] =	vst v2  }
0x58: {  	v60 =	vld.idx.msk [tilespmem:v0+s24+$0xFFFFFFF0 ss:$0x1], $0xffff;
	s31 =	sadd.s32 $0x800, s25;
	[tilespmem:s25+$0x20] =	vst v6  }
0x59: {  	v61 =	vld.idx.msk [tilespmem:v0+s24+$0x0 ss:$0x1], $0xffff;
	[tilespmem:s31+$0x30] =	vst v56  }
0x5a: {  	v62 =	vld.idx.msk [tilespmem:v0+s24+$0x10 ss:$0x1], $0xffff;
	s23 =	sadd.s32 $0x1, s23;
	[tilespmem:s31+$0xFFFFFFC0] =	vst v57  }
0x5b: {  	v63 =	vld.idx.msk [tilespmem:v0+s24+$0x20 ss:$0x1], $0xffff;
	p0 =	sne.s32 s23, $0x10;
	[tilespmem:s31+$0xFFFFFFD0] =	vst v58  }
.Ltmp4:
0x5c: {  	[tilespmem:s31+$0xFFFFFFE0] =	vst v59;
	(pc) =	sbr.rel @p0 .LBB1_3-.Ltmp4, $4  }
0x5d: {  	[tilespmem:s31+$0xFFFFFFF0] =	vst v60  }
0x5e: {  	[tilespmem:s31+$0x0] =	vst v61  }
0x5f: {  	[tilespmem:s31+$0x10] =	vst v62  }
0x60: {  	s21 =	sadd.s32 $0x80, s21;
	s22 =	sadd.s32 $0x400, s22;
	[tilespmem:s31+$0x20] =	vst v63  }
0x61: {  	s21 =	sshrl.u32 s12, $0x3  }
0x62: {  	s22 =	sshll.u32 s10, $0x3;
	s23 =	sshll.u32 s12, $0x7;
	s24 =	sand.u32 $0x7F, s10  }
0x63: {  	p0 =	sgt.s32 s11, $0x3F9;
	s30 =	sshra.s32 s11, $0x1F;
	s26 =	smov.u32 s10  }
0x64: {  	s27 =	sshra.s32 s10, $0x1F;
	s21 =	smul.u32 $0x2400, s21;
	s22 =	sand.u32 $0xFFFFFC00, s22  }
0x65: {  	s29 =	sand.u32 $0x380, s23;
	s23 =	sand.u32 s30, s11;
	s31 =	sand.u32 s27, s10  }
0x66: {  	s27 =	ssub.s32 $0x0, s12;
	s21 =	sadd.s32 s21, s22;
	s22 =	smov.u32 s11  }
0x67: {  	s21 =	sor.u32 s29, s21;
	s22 =	simm.s32 @!p0 $0x3F9;
	p0 =	sgt.s32 s10, $0x400  }
0x68: {  	s29 =	smul.u32 $0x900, s11;
	s24 =	sor.u32 s24, s21;
	s22 =	ssub.s32 s22, s23  }
0x69: {  	s26 =	simm.s32 @!p0 $0x400;
	s21 =	smulhi.u32 $0x38E38E39, s21;
	s23 =	sadd.s32 $0xFFFFFC07, s22  }
0x6a: {  	s25 =	smulhi.u32 $0x38E38E39, s24;
	s22 =	ssub.s32 $0x401, s22;
	p1 =	sgt.s32 s23, $0x7  }
0x6b: {  	s23 =	ssub.s32 s26, s31;
	s26 =	smin.u32 s12, s27;
	s21 =	sshrl.u32 s21, $0x8  }
0x6c: {  	s25 =	sshrl.u32 s25, $0x8;
	s22 =	simm.s32 @p1 $0x0;
	p0 =	sgt.s32 s26, $0xF  }
0x6d: {  	s26 =	ssub.s32 $0x10, s26;
	s21 =	sand.u32 $0xF, s21;
	s25 =	smul.u32 $0x480, s25  }
0x6e: {  	s28 =	sadd.s32 $0xFFFFFC00, s23;
	s26 =	simm.s32 @p0 $0x0;
	s21 =	smul.u32 $0x90, s21  }
0x6f: {  	s23 =	ssub.s32 $0x480, s23;
	p0 =	sgt.s32 s28, $0x7F;
	s22 =	smul.u32 s26, s22  }
.Ltmp5:
0x70: {  	s23 =	simm.s32 @p0 $0x0;
	s24 =	ssub.s32 s24, s25;
	(pc) =	sbr.rel .LBB1_7-.Ltmp5, $4  }
0x71: {  	s30 =	sadd.s32 s3, s29;
	s22 =	smul.u32 s23, s22;
	s25 =	sand.u32 $0x7, s24  }
0x72: {  	s21 =	sadd.s32 s21, s30;
	s24 =	sshrl.u32 s24, $0x3;
	s31 =	sshll.u32 s25, $0x12  }
0x73: {  	s21 =	sadd.s32 s24, s21;
	s22 =	sand.u32 $0x3FFFFFFF, s22;
	s23 =	sor.u32 $0x400, s31  }
0x74: {  	[hbm4b:s21+s23] =	stream.strided.scatter [tilespmem:s20], [sflag:$0x2], s22, s8, s23, $0x38;
	[tilespmem:$0x10000] =	vst v63  }
.LBB1_8:
0x75: {  	_ =	sfence.sel $0x180000  }
0x76: {  	s2 =	simm.s32 $0x1;
	[bflag:$0x0] =	sbarrier.arrive $0xFFFF  }
0x77: {  	s31 =	simm.s32 $0x2;
	[sflag:s2] =	ssyncpa.u1 $0x1  }
0x78: {  	[sflag:s31] =	ssyncpa.u1 $0x1  }
0x79: {  	p0 =	sne.s32 s0, $0x0;
	_ =	strace $0x9000004A  }
0x7a: {  	s0 =	sadd.s32 @!p0 $0x100000, s1;
	[bflag:$0x2] =	sbarrier.arrive $0xFFFF  }
0x7b: {  	[sflag:s0] =	ssyncadd.tile.s32 @!p0 $0x1;
	_ =	shalt  }
.Lfunc_end1:
_tile_overlayer_lowered:
.L_overlay_start_2:
0x7c: {  	(tag) =	ssettag $0x2  }
0x7d: {  	s0 =	rddreg [dreg:$0x0];
	s2 =	stileid.u32  }
0x7e: {  	s1 =	rddreg [dreg:$0x1];
	p0 =	sne.s32 s2, $0x0  }
0x7f: {  	s3 =	rddreg [dreg:$0x2];
	[bflag:$0x3] =	sbarrier.arrive $0xFFFF;
	s2 =	simm.s32 @!p0 $0x1C01  }
0x80: {  	[timem:s3], [sflag:s2] =	dma.local @!p0 [hbm:s0], s1  }
0x81: {  	s0 =	simm.s32 @!p0 $0x1  }
0x82: {  	_ =	swait.ge @!p0 [sflag:s0], s1  }
0x83: {  	s1 =	ssub.s32 @!p0 $0x0, s1;
	[sflag:s0] =	ssyncset.done @!p0 $0x0  }
0x84: {  	[sflag:s0] =	ssyncadd.s32 @!p0 s1  }
0x85: {  	[bflag:$0x3] =	sbarrier.arrive $0xFFFF  }
0x86: {  	_ =	shalt  }

</sc_bundles>
